<compile_context>
chip_gen: v7x
topology: tpu7x:2x2x1
jax: 0.10.2.dev20260603
libtpu: 0.0.44.dev20260713+nightly
codegen_flags: <defaults>
</compile_context>

<pallas_src>
import functools

import jax
import jax.numpy as jnp
from jax import lax
from jax.experimental import pallas as pl
from jax.experimental.pallas import tpu as pltpu
from jax.experimental.pallas import tpu_sc as plsc

BATCH = 16384
DIM_MLP = 128
DIM_MF = 64

_NUM_CORES = 2
_NUM_SUBCORES = 16
_NW = _NUM_CORES * _NUM_SUBCORES
_BPW = BATCH // _NW
_CH = 64
_NCHUNK = _BPW // _CH

_MESH = plsc.VectorSubcoreMesh(core_axis_name="c", subcore_axis_name="s")


def _sc_gather_body(uidx_hbm, iidx_hbm, eum_hbm, eim_hbm, c_hbm,
                    out_um, out_im, out_uf, out_if,
                    uix_v, iix_v,
                    um0, im0, uf0, if0, um1, im1, uf1, if1, sem):
    wid = lax.axis_index("s") * _NUM_CORES + lax.axis_index("c")
    base_w = wid * _BPW
    pltpu.sync_copy(uidx_hbm.at[pl.ds(base_w, _BPW)], uix_v)
    pltpu.sync_copy(iidx_hbm.at[pl.ds(base_w, _BPW)], iix_v)

    bufs = ((um0, im0, uf0, if0), (um1, im1, uf1, if1))
    pend = [None, None]

    def fire(g):
        b = bufs[g % 2]
        uix = uix_v.at[pl.ds(g * _CH, _CH)]
        iix = iix_v.at[pl.ds(g * _CH, _CH)]
        pend[g % 2] = (
            pltpu.async_copy(eum_hbm.at[uix], b[0], sem),
            pltpu.async_copy(eim_hbm.at[iix], b[1], sem),
            pltpu.async_copy(c_hbm.at[uix], b[2], sem),
            pltpu.async_copy(c_hbm.at[iix], b[3], sem),
        )

    fire(0)
    for g in range(_NCHUNK):
        if g + 1 < _NCHUNK:
            fire(g + 1)
        for cp in pend[g % 2]:
            cp.wait()
        b = bufs[g % 2]
        base = base_w + g * _CH
        pltpu.sync_copy(b[0], out_um.at[pl.ds(base, _CH)])
        pltpu.sync_copy(b[1], out_im.at[pl.ds(base, _CH)])
        pltpu.sync_copy(b[2], out_uf.at[pl.ds(base, _CH)])
        pltpu.sync_copy(b[3], out_if.at[pl.ds(base, _CH)])


_sc_gather = functools.partial(
    pl.kernel,
    mesh=_MESH,
    out_type=(
        jax.ShapeDtypeStruct((BATCH, DIM_MLP), jnp.float32),
        jax.ShapeDtypeStruct((BATCH, DIM_MLP), jnp.float32),
        jax.ShapeDtypeStruct((BATCH, 2 * DIM_MF), jnp.float32),
        jax.ShapeDtypeStruct((BATCH, 2 * DIM_MF), jnp.float32),
    ),
    scratch_types=[
        pltpu.VMEM((_BPW,), jnp.int32),
        pltpu.VMEM((_BPW,), jnp.int32),
        pltpu.VMEM((_CH, DIM_MLP), jnp.float32),
        pltpu.VMEM((_CH, DIM_MLP), jnp.float32),
        pltpu.VMEM((_CH, 2 * DIM_MF), jnp.float32),
        pltpu.VMEM((_CH, 2 * DIM_MF), jnp.float32),
        pltpu.VMEM((_CH, DIM_MLP), jnp.float32),
        pltpu.VMEM((_CH, DIM_MLP), jnp.float32),
        pltpu.VMEM((_CH, 2 * DIM_MF), jnp.float32),
        pltpu.VMEM((_CH, 2 * DIM_MF), jnp.float32),
        pltpu.SemaphoreType.DMA,
    ],
    compiler_params=pltpu.CompilerParams(use_tc_tiling_on_sc=True),
)(_sc_gather_body)


_BB = 1024


def _mlp_body(ue_ref, ie_ref, cu_ref, ci_ref,
              w0_ref, b0_ref, w1_ref, b1_ref, w2_ref, b2_ref,
              wa_ref, ba_ref, out_ref):
    f32 = jnp.float32
    w0 = w0_ref[...]
    h = jnp.dot(ue_ref[...], w0[:DIM_MLP], preferred_element_type=f32)
    h += jnp.dot(ie_ref[...], w0[DIM_MLP:], preferred_element_type=f32)
    h = jnp.maximum(h + b0_ref[...], 0.0)
    h = jnp.maximum(jnp.dot(h, w1_ref[...], preferred_element_type=f32) + b1_ref[...], 0.0)
    h = jnp.maximum(jnp.dot(h, w2_ref[...], preferred_element_type=f32) + b2_ref[...], 0.0)
    mf = cu_ref[:, :DIM_MF] * ci_ref[:, DIM_MF:]
    wa = wa_ref[...]
    logit = (jnp.dot(h, wa[:DIM_MF], preferred_element_type=f32)
             + jnp.dot(mf, wa[DIM_MF:], preferred_element_type=f32)
             + ba_ref[0, 0])
    out_ref[...] = jax.nn.sigmoid(logit)


def _mlp_call(ue, ie, cu, ci, w0, b0, w1, b1, w2, b2, wa, ba):
    grid = BATCH // _BB
    bspec_row = lambda d: pl.BlockSpec((_BB, d), lambda i: (i, 0))
    bspec_full = lambda s: pl.BlockSpec(s, lambda i: (0, 0))
    return pl.pallas_call(
        _mlp_body,
        grid=(grid,),
        in_specs=[
            bspec_row(DIM_MLP), bspec_row(DIM_MLP),
            bspec_row(2 * DIM_MF), bspec_row(2 * DIM_MF),
            bspec_full((256, 256)), bspec_full((1, 256)),
            bspec_full((256, 128)), bspec_full((1, 128)),
            bspec_full((128, 64)), bspec_full((1, 64)),
            bspec_full((128, 1)), bspec_full((1, 1)),
        ],
        out_specs=pl.BlockSpec((_BB, 1), lambda i: (i, 0)),
        out_shape=jax.ShapeDtypeStruct((BATCH, 1), jnp.float32),
        compiler_params=pltpu.CompilerParams(
            dimension_semantics=("arbitrary",),
        ),
    )(ue, ie, cu, ci, w0, b0, w1, b1, w2, b2, wa, ba)


def kernel(user_indices, item_indices, emb_user_mlp, emb_item_mlp,
           emb_user_mf, emb_item_mf, W0, b0, W1, b1, W2, b2, Wa, ba):
    ui = user_indices.astype(jnp.int32)
    ii = item_indices.astype(jnp.int32)
    c = jnp.concatenate([emb_user_mf, emb_item_mf], axis=1)
    ue, ie, cu, ci = _sc_gather(ui, ii, emb_user_mlp, emb_item_mlp, c)
    return _mlp_call(ue, ie, cu, ci, W0, b0.reshape(1, -1),
                     W1, b1.reshape(1, -1), W2, b2.reshape(1, -1),
                     Wa, ba.reshape(1, 1))

# --- scband reference (transcript-rebuilt; emitter-appended) ---
"""Pipeline reference for scband-neu-mf-32684701123399 (READ-ONLY COPY).

The authoritative reference and input builder live on the scoring server;
editing this copy changes nothing except your own understanding.
"""

import jax, jax.numpy as jnp
import numpy as np

USERS = 100000
ITEMS = 100000
DIM_MLP = 128
DIM_MF = 64
BATCH = 16384
LAYERS = [256, 256, 128, 64]


def setup_inputs(seed: int = 0) -> dict:
    key = jax.random.key(seed)
    ks = jax.random.split(key, 16)
    user_indices = jax.random.randint(ks[0], (BATCH,), 0, USERS, dtype=jnp.int64 if jax.config.read('jax_enable_x64') else jnp.int32)
    item_indices = jax.random.randint(ks[1], (BATCH,), 0, ITEMS, dtype=jnp.int64 if jax.config.read('jax_enable_x64') else jnp.int32)
    emb_user_mlp = jax.random.normal(ks[2], (USERS, DIM_MLP), dtype=jnp.float32) * 0.05
    emb_item_mlp = jax.random.normal(ks[3], (ITEMS, DIM_MLP), dtype=jnp.float32) * 0.05
    emb_user_mf = jax.random.normal(ks[4], (USERS, DIM_MF), dtype=jnp.float32) * 0.05
    emb_item_mf = jax.random.normal(ks[5], (ITEMS, DIM_MF), dtype=jnp.float32) * 0.05
    W0 = jax.random.normal(ks[6], (LAYERS[0], LAYERS[1]), dtype=jnp.float32) * (1.0 / np.sqrt(LAYERS[0]))
    b0 = jnp.zeros((LAYERS[1],), dtype=jnp.float32)
    W1 = jax.random.normal(ks[7], (LAYERS[1], LAYERS[2]), dtype=jnp.float32) * (1.0 / np.sqrt(LAYERS[1]))
    b1 = jnp.zeros((LAYERS[2],), dtype=jnp.float32)
    W2 = jax.random.normal(ks[8], (LAYERS[2], LAYERS[3]), dtype=jnp.float32) * (1.0 / np.sqrt(LAYERS[2]))
    b2 = jnp.zeros((LAYERS[3],), dtype=jnp.float32)
    Wa = jax.random.normal(ks[9], (LAYERS[3] + DIM_MF, 1), dtype=jnp.float32) * (1.0 / np.sqrt(LAYERS[3] + DIM_MF))
    ba = jnp.zeros((1,), dtype=jnp.float32)
    return {
        'user_indices': user_indices,
        'item_indices': item_indices,
        'emb_user_mlp': emb_user_mlp,
        'emb_item_mlp': emb_item_mlp,
        'emb_user_mf': emb_user_mf,
        'emb_item_mf': emb_item_mf,
        'W0': W0, 'b0': b0, 'W1': W1, 'b1': b1, 'W2': W2, 'b2': b2,
        'Wa': Wa, 'ba': ba,
    }


def reference(user_indices, item_indices, emb_user_mlp, emb_item_mlp, emb_user_mf, emb_item_mf,
              W0, b0, W1, b1, W2, b2, Wa, ba):
    ue_mlp = jnp.take(emb_user_mlp, user_indices, axis=0)
    ie_mlp = jnp.take(emb_item_mlp, item_indices, axis=0)
    ue_mf = jnp.take(emb_user_mf, user_indices, axis=0)
    ie_mf = jnp.take(emb_item_mf, item_indices, axis=0)
    mlp_vector = jnp.concatenate([ue_mlp, ie_mlp], axis=-1)
    mf_vector = ue_mf * ie_mf
    mlp_vector = jax.nn.relu(mlp_vector @ W0 + b0)
    mlp_vector = jax.nn.relu(mlp_vector @ W1 + b1)
    mlp_vector = jax.nn.relu(mlp_vector @ W2 + b2)
    vector = jnp.concatenate([mlp_vector, mf_vector], axis=-1)
    logits = vector @ Wa + ba
    rating = jax.nn.sigmoid(logits)
    return rating

if __name__ == "__main__":
    import jax
    _d = setup_inputs()
    print(jax.jit(kernel)(*tuple(_d.values())))

</pallas_src>

<mosaic_0001>
#map = affine_map<(d0, d1) -> (0)>
#map1 = affine_map<(d0, d1) -> (0, 0)>
module attributes {stable_mosaic.version = 14 : i64} {
  func.func @_sc_gather_body(%arg0: i32, %arg1: i32, %arg2: memref<16384xi32, #tpu.memory_space<hbm>>, %arg3: memref<16384xi32, #tpu.memory_space<hbm>>, %arg4: memref<100000x128xf32, #tpu.memory_space<hbm>>, %arg5: memref<100000x128xf32, #tpu.memory_space<hbm>>, %arg6: memref<100000x128xf32, #tpu.memory_space<hbm>>, %arg7: memref<16384x128xf32, #tpu.memory_space<hbm>>, %arg8: memref<16384x128xf32, #tpu.memory_space<hbm>>, %arg9: memref<16384x128xf32, #tpu.memory_space<hbm>>, %arg10: memref<16384x128xf32, #tpu.memory_space<hbm>>, %arg11: memref<512xi32, #tpu.memory_space<vmem>>, %arg12: memref<512xi32, #tpu.memory_space<vmem>>, %arg13: memref<64x128xf32, #tpu.memory_space<vmem>>, %arg14: memref<64x128xf32, #tpu.memory_space<vmem>>, %arg15: memref<64x128xf32, #tpu.memory_space<vmem>>, %arg16: memref<64x128xf32, #tpu.memory_space<vmem>>, %arg17: memref<64x128xf32, #tpu.memory_space<vmem>>, %arg18: memref<64x128xf32, #tpu.memory_space<vmem>>, %arg19: memref<64x128xf32, #tpu.memory_space<vmem>>, %arg20: memref<64x128xf32, #tpu.memory_space<vmem>>, %arg21: memref<!tpu.dma_semaphore, #tpu.memory_space<semaphore_mem>>) attributes {dimension_semantics = [#tpu.dimension_semantics<core_parallel>, #tpu.dimension_semantics<subcore_parallel>], iteration_bounds = array<i64: 2, 16>, scalar_prefetch = 0 : i64, scratch_operands = 11 : i64, tpu.core_type = #tpu.core_type<sc_vector_subcore>, window_params = [{transform_indices = #map}, {transform_indices = #map}, {transform_indices = #map1}, {transform_indices = #map1}, {transform_indices = #map1}, {transform_indices = #map1}, {transform_indices = #map1}, {transform_indices = #map1}, {transform_indices = #map1}]} {
    %mul3A = arith.constant 2 : i32
    %mul3A_0 = arith.muli %arg1, %mul3A : i32
    %add3A = arith.addi %mul3A_0, %arg0 : i32
    %mul3A_1 = arith.constant 512 : i32
    %mul3A_2 = arith.muli %add3A, %mul3A_1 : i32
    "tpu.region"() ({
      %run_scoped3A = tpu.sem_alloc : memref<!tpu.dma_semaphore, #tpu.memory_space<semaphore_mem>>
      %dma_start3A_337 = tpu.memref_slice %arg2[%mul3A_2] : memref<16384xi32, #tpu.memory_space<hbm>> -> memref<512xi32, #tpu.memory_space<hbm>>
      %dma_start3A_338 = tpu.memref_slice %arg2[%mul3A_2] : memref<16384xi32, #tpu.memory_space<hbm>> -> memref<512xi32, #tpu.memory_space<hbm>>
      tpu.enqueue_dma source(%dma_start3A_338 : memref<512xi32, #tpu.memory_space<hbm>>) target(%arg11 : memref<512xi32, #tpu.memory_space<vmem>>) target_semaphore(%run_scoped3A : memref<!tpu.dma_semaphore, #tpu.memory_space<semaphore_mem>>)
      %dma_wait3A_339 = tpu.memref_slice %arg2[%mul3A_2] : memref<16384xi32, #tpu.memory_space<hbm>> -> memref<512xi32, #tpu.memory_space<hbm>>
      %dma_wait3A_340 = tpu.memref_slice %arg2[%mul3A_2] : memref<16384xi32, #tpu.memory_space<hbm>> -> memref<512xi32, #tpu.memory_space<hbm>>
      tpu.wait_dma2 semaphore(%run_scoped3A : memref<!tpu.dma_semaphore, #tpu.memory_space<semaphore_mem>>) src(%dma_wait3A_340 : memref<512xi32, #tpu.memory_space<hbm>>) dst(%arg11 : memref<512xi32, #tpu.memory_space<vmem>>)
      tpu.yield
    }) : () -> ()
    "tpu.region"() ({
      %run_scoped3A = tpu.sem_alloc : memref<!tpu.dma_semaphore, #tpu.memory_space<semaphore_mem>>
      %dma_start3A_337 = tpu.memref_slice %arg3[%mul3A_2] : memref<16384xi32, #tpu.memory_space<hbm>> -> memref<512xi32, #tpu.memory_space<hbm>>
      %dma_start3A_338 = tpu.memref_slice %arg3[%mul3A_2] : memref<16384xi32, #tpu.memory_space<hbm>> -> memref<512xi32, #tpu.memory_space<hbm>>
      tpu.enqueue_dma source(%dma_start3A_338 : memref<512xi32, #tpu.memory_space<hbm>>) target(%arg12 : memref<512xi32, #tpu.memory_space<vmem>>) target_semaphore(%run_scoped3A : memref<!tpu.dma_semaphore, #tpu.memory_space<semaphore_mem>>)
      %dma_wait3A_339 = tpu.memref_slice %arg3[%mul3A_2] : memref<16384xi32, #tpu.memory_space<hbm>> -> memref<512xi32, #tpu.memory_space<hbm>>
      %dma_wait3A_340 = tpu.memref_slice %arg3[%mul3A_2] : memref<16384xi32, #tpu.memory_space<hbm>> -> memref<512xi32, #tpu.memory_space<hbm>>
      tpu.wait_dma2 semaphore(%run_scoped3A : memref<!tpu.dma_semaphore, #tpu.memory_space<semaphore_mem>>) src(%dma_wait3A_340 : memref<512xi32, #tpu.memory_space<hbm>>) dst(%arg12 : memref<512xi32, #tpu.memory_space<vmem>>)
      tpu.yield
    }) : () -> ()
    %dma_start3A = arith.constant 0 : i32
    %dma_start3A_3 = tpu.memref_slice %arg11[%dma_start3A] : memref<512xi32, #tpu.memory_space<vmem>> -> memref<64xi32, #tpu.memory_space<vmem>>
    %dma_start3A_4 = arith.constant 0 : i32
    %dma_start3A_5 = arith.constant 0 : i32
    %dma_start3A_6 = tpu.memref_slice %arg4[%dma_start3A_4, %dma_start3A_5] : memref<100000x128xf32, #tpu.memory_space<hbm>> -> memref<100000x128xf32, #tpu.memory_space<hbm>>
    tpu.enqueue_indirect_dma source(%dma_start3A_6 : memref<100000x128xf32, #tpu.memory_space<hbm>>) target(%arg13 : memref<64x128xf32, #tpu.memory_space<vmem>>) offsets(%dma_start3A_3 : memref<64xi32, #tpu.memory_space<vmem>>) semaphore(%arg21 : memref<!tpu.dma_semaphore, #tpu.memory_space<semaphore_mem>>)
    %dma_start3A_7 = arith.constant 0 : i32
    %dma_start3A_8 = tpu.memref_slice %arg12[%dma_start3A_7] : memref<512xi32, #tpu.memory_space<vmem>> -> memref<64xi32, #tpu.memory_space<vmem>>
    %dma_start3A_9 = arith.constant 0 : i32
    %dma_start3A_10 = arith.constant 0 : i32
    %dma_start3A_11 = tpu.memref_slice %arg5[%dma_start3A_9, %dma_start3A_10] : memref<100000x128xf32, #tpu.memory_space<hbm>> -> memref<100000x128xf32, #tpu.memory_space<hbm>>
    tpu.enqueue_indirect_dma source(%dma_start3A_11 : memref<100000x128xf32, #tpu.memory_space<hbm>>) target(%arg14 : memref<64x128xf32, #tpu.memory_space<vmem>>) offsets(%dma_start3A_8 : memref<64xi32, #tpu.memory_space<vmem>>) semaphore(%arg21 : memref<!tpu.dma_semaphore, #tpu.memory_space<semaphore_mem>>)
    %dma_start3A_12 = arith.constant 0 : i32
    %dma_start3A_13 = tpu.memref_slice %arg11[%dma_start3A_12] : memref<512xi32, #tpu.memory_space<vmem>> -> memref<64xi32, #tpu.memory_space<vmem>>
    %dma_start3A_14 = arith.constant 0 : i32
    %dma_start3A_15 = arith.constant 0 : i32
    %dma_start3A_16 = tpu.memref_slice %arg6[%dma_start3A_14, %dma_start3A_15] : memref<100000x128xf32, #tpu.memory_space<hbm>> -> memref<100000x128xf32, #tpu.memory_space<hbm>>
    tpu.enqueue_indirect_dma source(%dma_start3A_16 : memref<100000x128xf32, #tpu.memory_space<hbm>>) target(%arg15 : memref<64x128xf32, #tpu.memory_space<vmem>>) offsets(%dma_start3A_13 : memref<64xi32, #tpu.memory_space<vmem>>) semaphore(%arg21 : memref<!tpu.dma_semaphore, #tpu.memory_space<semaphore_mem>>)
    %dma_start3A_17 = arith.constant 0 : i32
    %dma_start3A_18 = tpu.memref_slice %arg12[%dma_start3A_17] : memref<512xi32, #tpu.memory_space<vmem>> -> memref<64xi32, #tpu.memory_space<vmem>>
    %dma_start3A_19 = arith.constant 0 : i32
    %dma_start3A_20 = arith.constant 0 : i32
    %dma_start3A_21 = tpu.memref_slice %arg6[%dma_start3A_19, %dma_start3A_20] : memref<100000x128xf32, #tpu.memory_space<hbm>> -> memref<100000x128xf32, #tpu.memory_space<hbm>>
    tpu.enqueue_indirect_dma source(%dma_start3A_21 : memref<100000x128xf32, #tpu.memory_space<hbm>>) target(%arg16 : memref<64x128xf32, #tpu.memory_space<vmem>>) offsets(%dma_start3A_18 : memref<64xi32, #tpu.memory_space<vmem>>) semaphore(%arg21 : memref<!tpu.dma_semaphore, #tpu.memory_space<semaphore_mem>>)
    %dma_start3A_22 = arith.constant 64 : i32
    %dma_start3A_23 = tpu.memref_slice %arg11[%dma_start3A_22] : memref<512xi32, #tpu.memory_space<vmem>> -> memref<64xi32, #tpu.memory_space<vmem>>
    %dma_start3A_24 = arith.constant 0 : i32
    %dma_start3A_25 = arith.constant 0 : i32
    %dma_start3A_26 = tpu.memref_slice %arg4[%dma_start3A_24, %dma_start3A_25] : memref<100000x128xf32, #tpu.memory_space<hbm>> -> memref<100000x128xf32, #tpu.memory_space<hbm>>
    tpu.enqueue_indirect_dma source(%dma_start3A_26 : memref<100000x128xf32, #tpu.memory_space<hbm>>) target(%arg17 : memref<64x128xf32, #tpu.memory_space<vmem>>) offsets(%dma_start3A_23 : memref<64xi32, #tpu.memory_space<vmem>>) semaphore(%arg21 : memref<!tpu.dma_semaphore, #tpu.memory_space<semaphore_mem>>)
    %dma_start3A_27 = arith.constant 64 : i32
    %dma_start3A_28 = tpu.memref_slice %arg12[%dma_start3A_27] : memref<512xi32, #tpu.memory_space<vmem>> -> memref<64xi32, #tpu.memory_space<vmem>>
    %dma_start3A_29 = arith.constant 0 : i32
    %dma_start3A_30 = arith.constant 0 : i32
    %dma_start3A_31 = tpu.memref_slice %arg5[%dma_start3A_29, %dma_start3A_30] : memref<100000x128xf32, #tpu.memory_space<hbm>> -> memref<100000x128xf32, #tpu.memory_space<hbm>>
    tpu.enqueue_indirect_dma source(%dma_start3A_31 : memref<100000x128xf32, #tpu.memory_space<hbm>>) target(%arg18 : memref<64x128xf32, #tpu.memory_space<vmem>>) offsets(%dma_start3A_28 : memref<64xi32, #tpu.memory_space<vmem>>) semaphore(%arg21 : memref<!tpu.dma_semaphore, #tpu.memory_space<semaphore_mem>>)
    %dma_start3A_32 = arith.constant 64 : i32
    %dma_start3A_33 = tpu.memref_slice %arg11[%dma_start3A_32] : memref<512xi32, #tpu.memory_space<vmem>> -> memref<64xi32, #tpu.memory_space<vmem>>
    %dma_start3A_34 = arith.constant 0 : i32
    %dma_start3A_35 = arith.constant 0 : i32
    %dma_start3A_36 = tpu.memref_slice %arg6[%dma_start3A_34, %dma_start3A_35] : memref<100000x128xf32, #tpu.memory_space<hbm>> -> memref<100000x128xf32, #tpu.memory_space<hbm>>
    tpu.enqueue_indirect_dma source(%dma_start3A_36 : memref<100000x128xf32, #tpu.memory_space<hbm>>) target(%arg19 : memref<64x128xf32, #tpu.memory_space<vmem>>) offsets(%dma_start3A_33 : memref<64xi32, #tpu.memory_space<vmem>>) semaphore(%arg21 : memref<!tpu.dma_semaphore, #tpu.memory_space<semaphore_mem>>)
    %dma_start3A_37 = arith.constant 64 : i32
    %dma_start3A_38 = tpu.memref_slice %arg12[%dma_start3A_37] : memref<512xi32, #tpu.memory_space<vmem>> -> memref<64xi32, #tpu.memory_space<vmem>>
    %dma_start3A_39 = arith.constant 0 : i32
    %dma_start3A_40 = arith.constant 0 : i32
    %dma_start3A_41 = tpu.memref_slice %arg6[%dma_start3A_39, %dma_start3A_40] : memref<100000x128xf32, #tpu.memory_space<hbm>> -> memref<100000x128xf32, #tpu.memory_space<hbm>>
    tpu.enqueue_indirect_dma source(%dma_start3A_41 : memref<100000x128xf32, #tpu.memory_space<hbm>>) target(%arg20 : memref<64x128xf32, #tpu.memory_space<vmem>>) offsets(%dma_start3A_38 : memref<64xi32, #tpu.memory_space<vmem>>) semaphore(%arg21 : memref<!tpu.dma_semaphore, #tpu.memory_space<semaphore_mem>>)
    %dma_wait3A = arith.constant 0 : i32
    %dma_wait3A_42 = tpu.memref_slice %arg11[%dma_wait3A] : memref<512xi32, #tpu.memory_space<vmem>> -> memref<64xi32, #tpu.memory_space<vmem>>
    %dma_wait3A_43 = arith.constant 0 : i32
    %dma_wait3A_44 = arith.constant 0 : i32
    %dma_wait3A_45 = tpu.memref_slice %arg4[%dma_wait3A_43, %dma_wait3A_44] : memref<100000x128xf32, #tpu.memory_space<hbm>> -> memref<100000x128xf32, #tpu.memory_space<hbm>>
    tpu.wait_indirect_dma semaphore(%arg21 : memref<!tpu.dma_semaphore, #tpu.memory_space<semaphore_mem>>) src(%dma_wait3A_45 : memref<100000x128xf32, #tpu.memory_space<hbm>>) dst(%arg13 : memref<64x128xf32, #tpu.memory_space<vmem>>)
    %dma_wait3A_46 = arith.constant 0 : i32
    %dma_wait3A_47 = tpu.memref_slice %arg12[%dma_wait3A_46] : memref<512xi32, #tpu.memory_space<vmem>> -> memref<64xi32, #tpu.memory_space<vmem>>
    %dma_wait3A_48 = arith.constant 0 : i32
    %dma_wait3A_49 = arith.constant 0 : i32
    %dma_wait3A_50 = tpu.memref_slice %arg5[%dma_wait3A_48, %dma_wait3A_49] : memref<100000x128xf32, #tpu.memory_space<hbm>> -> memref<100000x128xf32, #tpu.memory_space<hbm>>
    tpu.wait_indirect_dma semaphore(%arg21 : memref<!tpu.dma_semaphore, #tpu.memory_space<semaphore_mem>>) src(%dma_wait3A_50 : memref<100000x128xf32, #tpu.memory_space<hbm>>) dst(%arg14 : memref<64x128xf32, #tpu.memory_space<vmem>>)
    %dma_wait3A_51 = arith.constant 0 : i32
    %dma_wait3A_52 = tpu.memref_slice %arg11[%dma_wait3A_51] : memref<512xi32, #tpu.memory_space<vmem>> -> memref<64xi32, #tpu.memory_space<vmem>>
    %dma_wait3A_53 = arith.constant 0 : i32
    %dma_wait3A_54 = arith.constant 0 : i32
    %dma_wait3A_55 = tpu.memref_slice %arg6[%dma_wait3A_53, %dma_wait3A_54] : memref<100000x128xf32, #tpu.memory_space<hbm>> -> memref<100000x128xf32, #tpu.memory_space<hbm>>
    tpu.wait_indirect_dma semaphore(%arg21 : memref<!tpu.dma_semaphore, #tpu.memory_space<semaphore_mem>>) src(%dma_wait3A_55 : memref<100000x128xf32, #tpu.memory_space<hbm>>) dst(%arg15 : memref<64x128xf32, #tpu.memory_space<vmem>>)
    %dma_wait3A_56 = arith.constant 0 : i32
    %dma_wait3A_57 = tpu.memref_slice %arg12[%dma_wait3A_56] : memref<512xi32, #tpu.memory_space<vmem>> -> memref<64xi32, #tpu.memory_space<vmem>>
    %dma_wait3A_58 = arith.constant 0 : i32
    %dma_wait3A_59 = arith.constant 0 : i32
    %dma_wait3A_60 = tpu.memref_slice %arg6[%dma_wait3A_58, %dma_wait3A_59] : memref<100000x128xf32, #tpu.memory_space<hbm>> -> memref<100000x128xf32, #tpu.memory_space<hbm>>
    tpu.wait_indirect_dma semaphore(%arg21 : memref<!tpu.dma_semaphore, #tpu.memory_space<semaphore_mem>>) src(%dma_wait3A_60 : memref<100000x128xf32, #tpu.memory_space<hbm>>) dst(%arg16 : memref<64x128xf32, #tpu.memory_space<vmem>>)
    %add3A_61 = arith.constant 0 : i32
    %add3A_62 = arith.addi %mul3A_2, %add3A_61 : i32
    "tpu.region"() ({
      %run_scoped3A = tpu.sem_alloc : memref<!tpu.dma_semaphore, #tpu.memory_space<semaphore_mem>>
      %dma_start3A_337 = arith.constant 0 : i32
      %dma_start3A_338 = tpu.memref_slice %arg7[%add3A_62, %dma_start3A_337] : memref<16384x128xf32, #tpu.memory_space<hbm>> -> memref<64x128xf32, #tpu.memory_space<hbm>>
      %dma_start3A_339 = arith.constant 0 : i32
      %dma_start3A_340 = tpu.memref_slice %arg7[%add3A_62, %dma_start3A_339] : memref<16384x128xf32, #tpu.memory_space<hbm>> -> memref<64x128xf32, #tpu.memory_space<hbm>>
      tpu.enqueue_dma source(%arg13 : memref<64x128xf32, #tpu.memory_space<vmem>>) target(%dma_start3A_340 : memref<64x128xf32, #tpu.memory_space<hbm>>) target_semaphore(%run_scoped3A : memref<!tpu.dma_semaphore, #tpu.memory_space<semaphore_mem>>)
      %dma_wait3A_341 = arith.constant 0 : i32
      %dma_wait3A_342 = tpu.memref_slice %arg7[%add3A_62, %dma_wait3A_341] : memref<16384x128xf32, #tpu.memory_space<hbm>> -> memref<64x128xf32, #tpu.memory_space<hbm>>
      %dma_wait3A_343 = arith.constant 0 : i32
      %dma_wait3A_344 = tpu.memref_slice %arg7[%add3A_62, %dma_wait3A_343] : memref<16384x128xf32, #tpu.memory_space<hbm>> -> memref<64x128xf32, #tpu.memory_space<hbm>>
      tpu.wait_dma2 semaphore(%run_scoped3A : memref<!tpu.dma_semaphore, #tpu.memory_space<semaphore_mem>>) src(%arg13 : memref<64x128xf32, #tpu.memory_space<vmem>>) dst(%dma_wait3A_344 : memref<64x128xf32, #tpu.memory_space<hbm>>)
      tpu.yield
    }) : () -> ()
    "tpu.region"() ({
      %run_scoped3A = tpu.sem_alloc : memref<!tpu.dma_semaphore, #tpu.memory_space<semaphore_mem>>
      %dma_start3A_337 = arith.constant 0 : i32
      %dma_start3A_338 = tpu.memref_slice %arg8[%add3A_62, %dma_start3A_337] : memref<16384x128xf32, #tpu.memory_space<hbm>> -> memref<64x128xf32, #tpu.memory_space<hbm>>
      %dma_start3A_339 = arith.constant 0 : i32
      %dma_start3A_340 = tpu.memref_slice %arg8[%add3A_62, %dma_start3A_339] : memref<16384x128xf32, #tpu.memory_space<hbm>> -> memref<64x128xf32, #tpu.memory_space<hbm>>
      tpu.enqueue_dma source(%arg14 : memref<64x128xf32, #tpu.memory_space<vmem>>) target(%dma_start3A_340 : memref<64x128xf32, #tpu.memory_space<hbm>>) target_semaphore(%run_scoped3A : memref<!tpu.dma_semaphore, #tpu.memory_space<semaphore_mem>>)
      %dma_wait3A_341 = arith.constant 0 : i32
      %dma_wait3A_342 = tpu.memref_slice %arg8[%add3A_62, %dma_wait3A_341] : memref<16384x128xf32, #tpu.memory_space<hbm>> -> memref<64x128xf32, #tpu.memory_space<hbm>>
      %dma_wait3A_343 = arith.constant 0 : i32
      %dma_wait3A_344 = tpu.memref_slice %arg8[%add3A_62, %dma_wait3A_343] : memref<16384x128xf32, #tpu.memory_space<hbm>> -> memref<64x128xf32, #tpu.memory_space<hbm>>
      tpu.wait_dma2 semaphore(%run_scoped3A : memref<!tpu.dma_semaphore, #tpu.memory_space<semaphore_mem>>) src(%arg14 : memref<64x128xf32, #tpu.memory_space<vmem>>) dst(%dma_wait3A_344 : memref<64x128xf32, #tpu.memory_space<hbm>>)
      tpu.yield
    }) : () -> ()
    "tpu.region"() ({
      %run_scoped3A = tpu.sem_alloc : memref<!tpu.dma_semaphore, #tpu.memory_space<semaphore_mem>>
      %dma_start3A_337 = arith.constant 0 : i32
      %dma_start3A_338 = tpu.memref_slice %arg9[%add3A_62, %dma_start3A_337] : memref<16384x128xf32, #tpu.memory_space<hbm>> -> memref<64x128xf32, #tpu.memory_space<hbm>>
      %dma_start3A_339 = arith.constant 0 : i32
      %dma_start3A_340 = tpu.memref_slice %arg9[%add3A_62, %dma_start3A_339] : memref<16384x128xf32, #tpu.memory_space<hbm>> -> memref<64x128xf32, #tpu.memory_space<hbm>>
      tpu.enqueue_dma source(%arg15 : memref<64x128xf32, #tpu.memory_space<vmem>>) target(%dma_start3A_340 : memref<64x128xf32, #tpu.memory_space<hbm>>) target_semaphore(%run_scoped3A : memref<!tpu.dma_semaphore, #tpu.memory_space<semaphore_mem>>)
      %dma_wait3A_341 = arith.constant 0 : i32
      %dma_wait3A_342 = tpu.memref_slice %arg9[%add3A_62, %dma_wait3A_341] : memref<16384x128xf32, #tpu.memory_space<hbm>> -> memref<64x128xf32, #tpu.memory_space<hbm>>
      %dma_wait3A_343 = arith.constant 0 : i32
      %dma_wait3A_344 = tpu.memref_slice %arg9[%add3A_62, %dma_wait3A_343] : memref<16384x128xf32, #tpu.memory_space<hbm>> -> memref<64x128xf32, #tpu.memory_space<hbm>>
      tpu.wait_dma2 semaphore(%run_scoped3A : memref<!tpu.dma_semaphore, #tpu.memory_space<semaphore_mem>>) src(%arg15 : memref<64x128xf32, #tpu.memory_space<vmem>>) dst(%dma_wait3A_344 : memref<64x128xf32, #tpu.memory_space<hbm>>)
      tpu.yield
    }) : () -> ()
    "tpu.region"() ({
      %run_scoped3A = tpu.sem_alloc : memref<!tpu.dma_semaphore, #tpu.memory_space<semaphore_mem>>
      %dma_start3A_337 = arith.constant 0 : i32
      %dma_start3A_338 = tpu.memref_slice %arg10[%add3A_62, %dma_start3A_337] : memref<16384x128xf32, #tpu.memory_space<hbm>> -> memref<64x128xf32, #tpu.memory_space<hbm>>
      %dma_start3A_339 = arith.constant 0 : i32
      %dma_start3A_340 = tpu.memref_slice %arg10[%add3A_62, %dma_start3A_339] : memref<16384x128xf32, #tpu.memory_space<hbm>> -> memref<64x128xf32, #tpu.memory_space<hbm>>
      tpu.enqueue_dma source(%arg16 : memref<64x128xf32, #tpu.memory_space<vmem>>) target(%dma_start3A_340 : memref<64x128xf32, #tpu.memory_space<hbm>>) target_semaphore(%run_scoped3A : memref<!tpu.dma_semaphore, #tpu.memory_space<semaphore_mem>>)
      %dma_wait3A_341 = arith.constant 0 : i32
      %dma_wait3A_342 = tpu.memref_slice %arg10[%add3A_62, %dma_wait3A_341] : memref<16384x128xf32, #tpu.memory_space<hbm>> -> memref<64x128xf32, #tpu.memory_space<hbm>>
      %dma_wait3A_343 = arith.constant 0 : i32
      %dma_wait3A_344 = tpu.memref_slice %arg10[%add3A_62, %dma_wait3A_343] : memref<16384x128xf32, #tpu.memory_space<hbm>> -> memref<64x128xf32, #tpu.memory_space<hbm>>
      tpu.wait_dma2 semaphore(%run_scoped3A : memref<!tpu.dma_semaphore, #tpu.memory_space<semaphore_mem>>) src(%arg16 : memref<64x128xf32, #tpu.memory_space<vmem>>) dst(%dma_wait3A_344 : memref<64x128xf32, #tpu.memory_space<hbm>>)
      tpu.yield
    }) : () -> ()
    %dma_start3A_63 = arith.constant 128 : i32
    %dma_start3A_64 = tpu.memref_slice %arg11[%dma_start3A_63] : memref<512xi32, #tpu.memory_space<vmem>> -> memref<64xi32, #tpu.memory_space<vmem>>
    %dma_start3A_65 = arith.constant 0 : i32
    %dma_start3A_66 = arith.constant 0 : i32
    %dma_start3A_67 = tpu.memref_slice %arg4[%dma_start3A_65, %dma_start3A_66] : memref<100000x128xf32, #tpu.memory_space<hbm>> -> memref<100000x128xf32, #tpu.memory_space<hbm>>
    tpu.enqueue_indirect_dma source(%dma_start3A_67 : memref<100000x128xf32, #tpu.memory_space<hbm>>) target(%arg13 : memref<64x128xf32, #tpu.memory_space<vmem>>) offsets(%dma_start3A_64 : memref<64xi32, #tpu.memory_space<vmem>>) semaphore(%arg21 : memref<!tpu.dma_semaphore, #tpu.memory_space<semaphore_mem>>)
    %dma_start3A_68 = arith.constant 128 : i32
    %dma_start3A_69 = tpu.memref_slice %arg12[%dma_start3A_68] : memref<512xi32, #tpu.memory_space<vmem>> -> memref<64xi32, #tpu.memory_space<vmem>>
    %dma_start3A_70 = arith.constant 0 : i32
    %dma_start3A_71 = arith.constant 0 : i32
    %dma_start3A_72 = tpu.memref_slice %arg5[%dma_start3A_70, %dma_start3A_71] : memref<100000x128xf32, #tpu.memory_space<hbm>> -> memref<100000x128xf32, #tpu.memory_space<hbm>>
    tpu.enqueue_indirect_dma source(%dma_start3A_72 : memref<100000x128xf32, #tpu.memory_space<hbm>>) target(%arg14 : memref<64x128xf32, #tpu.memory_space<vmem>>) offsets(%dma_start3A_69 : memref<64xi32, #tpu.memory_space<vmem>>) semaphore(%arg21 : memref<!tpu.dma_semaphore, #tpu.memory_space<semaphore_mem>>)
    %dma_start3A_73 = arith.constant 128 : i32
    %dma_start3A_74 = tpu.memref_slice %arg11[%dma_start3A_73] : memref<512xi32, #tpu.memory_space<vmem>> -> memref<64xi32, #tpu.memory_space<vmem>>
    %dma_start3A_75 = arith.constant 0 : i32
    %dma_start3A_76 = arith.constant 0 : i32
    %dma_start3A_77 = tpu.memref_slice %arg6[%dma_start3A_75, %dma_start3A_76] : memref<100000x128xf32, #tpu.memory_space<hbm>> -> memref<100000x128xf32, #tpu.memory_space<hbm>>
    tpu.enqueue_indirect_dma source(%dma_start3A_77 : memref<100000x128xf32, #tpu.memory_space<hbm>>) target(%arg15 : memref<64x128xf32, #tpu.memory_space<vmem>>) offsets(%dma_start3A_74 : memref<64xi32, #tpu.memory_space<vmem>>) semaphore(%arg21 : memref<!tpu.dma_semaphore, #tpu.memory_space<semaphore_mem>>)
    %dma_start3A_78 = arith.constant 128 : i32
    %dma_start3A_79 = tpu.memref_slice %arg12[%dma_start3A_78] : memref<512xi32, #tpu.memory_space<vmem>> -> memref<64xi32, #tpu.memory_space<vmem>>
    %dma_start3A_80 = arith.constant 0 : i32
    %dma_start3A_81 = arith.constant 0 : i32
    %dma_start3A_82 = tpu.memref_slice %arg6[%dma_start3A_80, %dma_start3A_81] : memref<100000x128xf32, #tpu.memory_space<hbm>> -> memref<100000x128xf32, #tpu.memory_space<hbm>>
    tpu.enqueue_indirect_dma source(%dma_start3A_82 : memref<100000x128xf32, #tpu.memory_space<hbm>>) target(%arg16 : memref<64x128xf32, #tpu.memory_space<vmem>>) offsets(%dma_start3A_79 : memref<64xi32, #tpu.memory_space<vmem>>) semaphore(%arg21 : memref<!tpu.dma_semaphore, #tpu.memory_space<semaphore_mem>>)
    %dma_wait3A_83 = arith.constant 64 : i32
    %dma_wait3A_84 = tpu.memref_slice %arg11[%dma_wait3A_83] : memref<512xi32, #tpu.memory_space<vmem>> -> memref<64xi32, #tpu.memory_space<vmem>>
    %dma_wait3A_85 = arith.constant 0 : i32
    %dma_wait3A_86 = arith.constant 0 : i32
    %dma_wait3A_87 = tpu.memref_slice %arg4[%dma_wait3A_85, %dma_wait3A_86] : memref<100000x128xf32, #tpu.memory_space<hbm>> -> memref<100000x128xf32, #tpu.memory_space<hbm>>
    tpu.wait_indirect_dma semaphore(%arg21 : memref<!tpu.dma_semaphore, #tpu.memory_space<semaphore_mem>>) src(%dma_wait3A_87 : memref<100000x128xf32, #tpu.memory_space<hbm>>) dst(%arg17 : memref<64x128xf32, #tpu.memory_space<vmem>>)
    %dma_wait3A_88 = arith.constant 64 : i32
    %dma_wait3A_89 = tpu.memref_slice %arg12[%dma_wait3A_88] : memref<512xi32, #tpu.memory_space<vmem>> -> memref<64xi32, #tpu.memory_space<vmem>>
    %dma_wait3A_90 = arith.constant 0 : i32
    %dma_wait3A_91 = arith.constant 0 : i32
    %dma_wait3A_92 = tpu.memref_slice %arg5[%dma_wait3A_90, %dma_wait3A_91] : memref<100000x128xf32, #tpu.memory_space<hbm>> -> memref<100000x128xf32, #tpu.memory_space<hbm>>
    tpu.wait_indirect_dma semaphore(%arg21 : memref<!tpu.dma_semaphore, #tpu.memory_space<semaphore_mem>>) src(%dma_wait3A_92 : memref<100000x128xf32, #tpu.memory_space<hbm>>) dst(%arg18 : memref<64x128xf32, #tpu.memory_space<vmem>>)
    %dma_wait3A_93 = arith.constant 64 : i32
    %dma_wait3A_94 = tpu.memref_slice %arg11[%dma_wait3A_93] : memref<512xi32, #tpu.memory_space<vmem>> -> memref<64xi32, #tpu.memory_space<vmem>>
    %dma_wait3A_95 = arith.constant 0 : i32
    %dma_wait3A_96 = arith.constant 0 : i32
    %dma_wait3A_97 = tpu.memref_slice %arg6[%dma_wait3A_95, %dma_wait3A_96] : memref<100000x128xf32, #tpu.memory_space<hbm>> -> memref<100000x128xf32, #tpu.memory_space<hbm>>
    tpu.wait_indirect_dma semaphore(%arg21 : memref<!tpu.dma_semaphore, #tpu.memory_space<semaphore_mem>>) src(%dma_wait3A_97 : memref<100000x128xf32, #tpu.memory_space<hbm>>) dst(%arg19 : memref<64x128xf32, #tpu.memory_space<vmem>>)
    %dma_wait3A_98 = arith.constant 64 : i32
    %dma_wait3A_99 = tpu.memref_slice %arg12[%dma_wait3A_98] : memref<512xi32, #tpu.memory_space<vmem>> -> memref<64xi32, #tpu.memory_space<vmem>>
    %dma_wait3A_100 = arith.constant 0 : i32
    %dma_wait3A_101 = arith.constant 0 : i32
    %dma_wait3A_102 = tpu.memref_slice %arg6[%dma_wait3A_100, %dma_wait3A_101] : memref<100000x128xf32, #tpu.memory_space<hbm>> -> memref<100000x128xf32, #tpu.memory_space<hbm>>
    tpu.wait_indirect_dma semaphore(%arg21 : memref<!tpu.dma_semaphore, #tpu.memory_space<semaphore_mem>>) src(%dma_wait3A_102 : memref<100000x128xf32, #tpu.memory_space<hbm>>) dst(%arg20 : memref<64x128xf32, #tpu.memory_space<vmem>>)
    %add3A_103 = arith.constant 64 : i32
    %add3A_104 = arith.addi %mul3A_2, %add3A_103 : i32
    "tpu.region"() ({
      %run_scoped3A = tpu.sem_alloc : memref<!tpu.dma_semaphore, #tpu.memory_space<semaphore_mem>>
      %dma_start3A_337 = arith.constant 0 : i32
      %dma_start3A_338 = tpu.memref_slice %arg7[%add3A_104, %dma_start3A_337] : memref<16384x128xf32, #tpu.memory_space<hbm>> -> memref<64x128xf32, #tpu.memory_space<hbm>>
      %dma_start3A_339 = arith.constant 0 : i32
      %dma_start3A_340 = tpu.memref_slice %arg7[%add3A_104, %dma_start3A_339] : memref<16384x128xf32, #tpu.memory_space<hbm>> -> memref<64x128xf32, #tpu.memory_space<hbm>>
      tpu.enqueue_dma source(%arg17 : memref<64x128xf32, #tpu.memory_space<vmem>>) target(%dma_start3A_340 : memref<64x128xf32, #tpu.memory_space<hbm>>) target_semaphore(%run_scoped3A : memref<!tpu.dma_semaphore, #tpu.memory_space<semaphore_mem>>)
      %dma_wait3A_341 = arith.constant 0 : i32
      %dma_wait3A_342 = tpu.memref_slice %arg7[%add3A_104, %dma_wait3A_341] : memref<16384x128xf32, #tpu.memory_space<hbm>> -> memref<64x128xf32, #tpu.memory_space<hbm>>
      %dma_wait3A_343 = arith.constant 0 : i32
      %dma_wait3A_344 = tpu.memref_slice %arg7[%add3A_104, %dma_wait3A_343] : memref<16384x128xf32, #tpu.memory_space<hbm>> -> memref<64x128xf32, #tpu.memory_space<hbm>>
      tpu.wait_dma2 semaphore(%run_scoped3A : memref<!tpu.dma_semaphore, #tpu.memory_space<semaphore_mem>>) src(%arg17 : memref<64x128xf32, #tpu.memory_space<vmem>>) dst(%dma_wait3A_344 : memref<64x128xf32, #tpu.memory_space<hbm>>)
      tpu.yield
    }) : () -> ()
    "tpu.region"() ({
      %run_scoped3A = tpu.sem_alloc : memref<!tpu.dma_semaphore, #tpu.memory_space<semaphore_mem>>
      %dma_start3A_337 = arith.constant 0 : i32
      %dma_start3A_338 = tpu.memref_slice %arg8[%add3A_104, %dma_start3A_337] : memref<16384x128xf32, #tpu.memory_space<hbm>> -> memref<64x128xf32, #tpu.memory_space<hbm>>
      %dma_start3A_339 = arith.constant 0 : i32
      %dma_start3A_340 = tpu.memref_slice %arg8[%add3A_104, %dma_start3A_339] : memref<16384x128xf32, #tpu.memory_space<hbm>> -> memref<64x128xf32, #tpu.memory_space<hbm>>
      tpu.enqueue_dma source(%arg18 : memref<64x128xf32, #tpu.memory_space<vmem>>) target(%dma_start3A_340 : memref<64x128xf32, #tpu.memory_space<hbm>>) target_semaphore(%run_scoped3A : memref<!tpu.dma_semaphore, #tpu.memory_space<semaphore_mem>>)
      %dma_wait3A_341 = arith.constant 0 : i32
      %dma_wait3A_342 = tpu.memref_slice %arg8[%add3A_104, %dma_wait3A_341] : memref<16384x128xf32, #tpu.memory_space<hbm>> -> memref<64x128xf32, #tpu.memory_space<hbm>>
      %dma_wait3A_343 = arith.constant 0 : i32
      %dma_wait3A_344 = tpu.memref_slice %arg8[%add3A_104, %dma_wait3A_343] : memref<16384x128xf32, #tpu.memory_space<hbm>> -> memref<64x128xf32, #tpu.memory_space<hbm>>
      tpu.wait_dma2 semaphore(%run_scoped3A : memref<!tpu.dma_semaphore, #tpu.memory_space<semaphore_mem>>) src(%arg18 : memref<64x128xf32, #tpu.memory_space<vmem>>) dst(%dma_wait3A_344 : memref<64x128xf32, #tpu.memory_space<hbm>>)
      tpu.yield
    }) : () -> ()
    "tpu.region"() ({
      %run_scoped3A = tpu.sem_alloc : memref<!tpu.dma_semaphore, #tpu.memory_space<semaphore_mem>>
      %dma_start3A_337 = arith.constant 0 : i32
      %dma_start3A_338 = tpu.memref_slice %arg9[%add3A_104, %dma_start3A_337] : memref<16384x128xf32, #tpu.memory_space<hbm>> -> memref<64x128xf32, #tpu.memory_space<hbm>>
      %dma_start3A_339 = arith.constant 0 : i32
      %dma_start3A_340 = tpu.memref_slice %arg9[%add3A_104, %dma_start3A_339] : memref<16384x128xf32, #tpu.memory_space<hbm>> -> memref<64x128xf32, #tpu.memory_space<hbm>>
      tpu.enqueue_dma source(%arg19 : memref<64x128xf32, #tpu.memory_space<vmem>>) target(%dma_start3A_340 : memref<64x128xf32, #tpu.memory_space<hbm>>) target_semaphore(%run_scoped3A : memref<!tpu.dma_semaphore, #tpu.memory_space<semaphore_mem>>)
      %dma_wait3A_341 = arith.constant 0 : i32
      %dma_wait3A_342 = tpu.memref_slice %arg9[%add3A_104, %dma_wait3A_341] : memref<16384x128xf32, #tpu.memory_space<hbm>> -> memref<64x128xf32, #tpu.memory_space<hbm>>
      %dma_wait3A_343 = arith.constant 0 : i32
      %dma_wait3A_344 = tpu.memref_slice %arg9[%add3A_104, %dma_wait3A_343] : memref<16384x128xf32, #tpu.memory_space<hbm>> -> memref<64x128xf32, #tpu.memory_space<hbm>>
      tpu.wait_dma2 semaphore(%run_scoped3A : memref<!tpu.dma_semaphore, #tpu.memory_space<semaphore_mem>>) src(%arg19 : memref<64x128xf32, #tpu.memory_space<vmem>>) dst(%dma_wait3A_344 : memref<64x128xf32, #tpu.memory_space<hbm>>)
      tpu.yield
    }) : () -> ()
    "tpu.region"() ({
      %run_scoped3A = tpu.sem_alloc : memref<!tpu.dma_semaphore, #tpu.memory_space<semaphore_mem>>
      %dma_start3A_337 = arith.constant 0 : i32
      %dma_start3A_338 = tpu.memref_slice %arg10[%add3A_104, %dma_start3A_337] : memref<16384x128xf32, #tpu.memory_space<hbm>> -> memref<64x128xf32, #tpu.memory_space<hbm>>
      %dma_start3A_339 = arith.constant 0 : i32
      %dma_start3A_340 = tpu.memref_slice %arg10[%add3A_104, %dma_start3A_339] : memref<16384x128xf32, #tpu.memory_space<hbm>> -> memref<64x128xf32, #tpu.memory_space<hbm>>
      tpu.enqueue_dma source(%arg20 : memref<64x128xf32, #tpu.memory_space<vmem>>) target(%dma_start3A_340 : memref<64x128xf32, #tpu.memory_space<hbm>>) target_semaphore(%run_scoped3A : memref<!tpu.dma_semaphore, #tpu.memory_space<semaphore_mem>>)
      %dma_wait3A_341 = arith.constant 0 : i32
      %dma_wait3A_342 = tpu.memref_slice %arg10[%add3A_104, %dma_wait3A_341] : memref<16384x128xf32, #tpu.memory_space<hbm>> -> memref<64x128xf32, #tpu.memory_space<hbm>>
      %dma_wait3A_343 = arith.constant 0 : i32
      %dma_wait3A_344 = tpu.memref_slice %arg10[%add3A_104, %dma_wait3A_343] : memref<16384x128xf32, #tpu.memory_space<hbm>> -> memref<64x128xf32, #tpu.memory_space<hbm>>
      tpu.wait_dma2 semaphore(%run_scoped3A : memref<!tpu.dma_semaphore, #tpu.memory_space<semaphore_mem>>) src(%arg20 : memref<64x128xf32, #tpu.memory_space<vmem>>) dst(%dma_wait3A_344 : memref<64x128xf32, #tpu.memory_space<hbm>>)
      tpu.yield
    }) : () -> ()
    %dma_start3A_105 = arith.constant 192 : i32
    %dma_start3A_106 = tpu.memref_slice %arg11[%dma_start3A_105] : memref<512xi32, #tpu.memory_space<vmem>> -> memref<64xi32, #tpu.memory_space<vmem>>
    %dma_start3A_107 = arith.constant 0 : i32
    %dma_start3A_108 = arith.constant 0 : i32
    %dma_start3A_109 = tpu.memref_slice %arg4[%dma_start3A_107, %dma_start3A_108] : memref<100000x128xf32, #tpu.memory_space<hbm>> -> memref<100000x128xf32, #tpu.memory_space<hbm>>
    tpu.enqueue_indirect_dma source(%dma_start3A_109 : memref<100000x128xf32, #tpu.memory_space<hbm>>) target(%arg17 : memref<64x128xf32, #tpu.memory_space<vmem>>) offsets(%dma_start3A_106 : memref<64xi32, #tpu.memory_space<vmem>>) semaphore(%arg21 : memref<!tpu.dma_semaphore, #tpu.memory_space<semaphore_mem>>)
    %dma_start3A_110 = arith.constant 192 : i32
    %dma_start3A_111 = tpu.memref_slice %arg12[%dma_start3A_110] : memref<512xi32, #tpu.memory_space<vmem>> -> memref<64xi32, #tpu.memory_space<vmem>>
    %dma_start3A_112 = arith.constant 0 : i32
    %dma_start3A_113 = arith.constant 0 : i32
    %dma_start3A_114 = tpu.memref_slice %arg5[%dma_start3A_112, %dma_start3A_113] : memref<100000x128xf32, #tpu.memory_space<hbm>> -> memref<100000x128xf32, #tpu.memory_space<hbm>>
    tpu.enqueue_indirect_dma source(%dma_start3A_114 : memref<100000x128xf32, #tpu.memory_space<hbm>>) target(%arg18 : memref<64x128xf32, #tpu.memory_space<vmem>>) offsets(%dma_start3A_111 : memref<64xi32, #tpu.memory_space<vmem>>) semaphore(%arg21 : memref<!tpu.dma_semaphore, #tpu.memory_space<semaphore_mem>>)
    %dma_start3A_115 = arith.constant 192 : i32
    %dma_start3A_116 = tpu.memref_slice %arg11[%dma_start3A_115] : memref<512xi32, #tpu.memory_space<vmem>> -> memref<64xi32, #tpu.memory_space<vmem>>
    %dma_start3A_117 = arith.constant 0 : i32
    %dma_start3A_118 = arith.constant 0 : i32
    %dma_start3A_119 = tpu.memref_slice %arg6[%dma_start3A_117, %dma_start3A_118] : memref<100000x128xf32, #tpu.memory_space<hbm>> -> memref<100000x128xf32, #tpu.memory_space<hbm>>
    tpu.enqueue_indirect_dma source(%dma_start3A_119 : memref<100000x128xf32, #tpu.memory_space<hbm>>) target(%arg19 : memref<64x128xf32, #tpu.memory_space<vmem>>) offsets(%dma_start3A_116 : memref<64xi32, #tpu.memory_space<vmem>>) semaphore(%arg21 : memref<!tpu.dma_semaphore, #tpu.memory_space<semaphore_mem>>)
    %dma_start3A_120 = arith.constant 192 : i32
    %dma_start3A_121 = tpu.memref_slice %arg12[%dma_start3A_120] : memref<512xi32, #tpu.memory_space<vmem>> -> memref<64xi32, #tpu.memory_space<vmem>>
    %dma_start3A_122 = arith.constant 0 : i32
    %dma_start3A_123 = arith.constant 0 : i32
    %dma_start3A_124 = tpu.memref_slice %arg6[%dma_start3A_122, %dma_start3A_123] : memref<100000x128xf32, #tpu.memory_space<hbm>> -> memref<100000x128xf32, #tpu.memory_space<hbm>>
    tpu.enqueue_indirect_dma source(%dma_start3A_124 : memref<100000x128xf32, #tpu.memory_space<hbm>>) target(%arg20 : memref<64x128xf32, #tpu.memory_space<vmem>>) offsets(%dma_start3A_121 : memref<64xi32, #tpu.memory_space<vmem>>) semaphore(%arg21 : memref<!tpu.dma_semaphore, #tpu.memory_space<semaphore_mem>>)
    %dma_wait3A_125 = arith.constant 128 : i32
    %dma_wait3A_126 = tpu.memref_slice %arg11[%dma_wait3A_125] : memref<512xi32, #tpu.memory_space<vmem>> -> memref<64xi32, #tpu.memory_space<vmem>>
    %dma_wait3A_127 = arith.constant 0 : i32
    %dma_wait3A_128 = arith.constant 0 : i32
    %dma_wait3A_129 = tpu.memref_slice %arg4[%dma_wait3A_127, %dma_wait3A_128] : memref<100000x128xf32, #tpu.memory_space<hbm>> -> memref<100000x128xf32, #tpu.memory_space<hbm>>
    tpu.wait_indirect_dma semaphore(%arg21 : memref<!tpu.dma_semaphore, #tpu.memory_space<semaphore_mem>>) src(%dma_wait3A_129 : memref<100000x128xf32, #tpu.memory_space<hbm>>) dst(%arg13 : memref<64x128xf32, #tpu.memory_space<vmem>>)
    %dma_wait3A_130 = arith.constant 128 : i32
    %dma_wait3A_131 = tpu.memref_slice %arg12[%dma_wait3A_130] : memref<512xi32, #tpu.memory_space<vmem>> -> memref<64xi32, #tpu.memory_space<vmem>>
    %dma_wait3A_132 = arith.constant 0 : i32
    %dma_wait3A_133 = arith.constant 0 : i32
    %dma_wait3A_134 = tpu.memref_slice %arg5[%dma_wait3A_132, %dma_wait3A_133] : memref<100000x128xf32, #tpu.memory_space<hbm>> -> memref<100000x128xf32, #tpu.memory_space<hbm>>
    tpu.wait_indirect_dma semaphore(%arg21 : memref<!tpu.dma_semaphore, #tpu.memory_space<semaphore_mem>>) src(%dma_wait3A_134 : memref<100000x128xf32, #tpu.memory_space<hbm>>) dst(%arg14 : memref<64x128xf32, #tpu.memory_space<vmem>>)
    %dma_wait3A_135 = arith.constant 128 : i32
    %dma_wait3A_136 = tpu.memref_slice %arg11[%dma_wait3A_135] : memref<512xi32, #tpu.memory_space<vmem>> -> memref<64xi32, #tpu.memory_space<vmem>>
    %dma_wait3A_137 = arith.constant 0 : i32
    %dma_wait3A_138 = arith.constant 0 : i32
    %dma_wait3A_139 = tpu.memref_slice %arg6[%dma_wait3A_137, %dma_wait3A_138] : memref<100000x128xf32, #tpu.memory_space<hbm>> -> memref<100000x128xf32, #tpu.memory_space<hbm>>
    tpu.wait_indirect_dma semaphore(%arg21 : memref<!tpu.dma_semaphore, #tpu.memory_space<semaphore_mem>>) src(%dma_wait3A_139 : memref<100000x128xf32, #tpu.memory_space<hbm>>) dst(%arg15 : memref<64x128xf32, #tpu.memory_space<vmem>>)
    %dma_wait3A_140 = arith.constant 128 : i32
    %dma_wait3A_141 = tpu.memref_slice %arg12[%dma_wait3A_140] : memref<512xi32, #tpu.memory_space<vmem>> -> memref<64xi32, #tpu.memory_space<vmem>>
    %dma_wait3A_142 = arith.constant 0 : i32
    %dma_wait3A_143 = arith.constant 0 : i32
    %dma_wait3A_144 = tpu.memref_slice %arg6[%dma_wait3A_142, %dma_wait3A_143] : memref<100000x128xf32, #tpu.memory_space<hbm>> -> memref<100000x128xf32, #tpu.memory_space<hbm>>
    tpu.wait_indirect_dma semaphore(%arg21 : memref<!tpu.dma_semaphore, #tpu.memory_space<semaphore_mem>>) src(%dma_wait3A_144 : memref<100000x128xf32, #tpu.memory_space<hbm>>) dst(%arg16 : memref<64x128xf32, #tpu.memory_space<vmem>>)
    %add3A_145 = arith.constant 128 : i32
    %add3A_146 = arith.addi %mul3A_2, %add3A_145 : i32
    "tpu.region"() ({
      %run_scoped3A = tpu.sem_alloc : memref<!tpu.dma_semaphore, #tpu.memory_space<semaphore_mem>>
      %dma_start3A_337 = arith.constant 0 : i32
      %dma_start3A_338 = tpu.memref_slice %arg7[%add3A_146, %dma_start3A_337] : memref<16384x128xf32, #tpu.memory_space<hbm>> -> memref<64x128xf32, #tpu.memory_space<hbm>>
      %dma_start3A_339 = arith.constant 0 : i32
      %dma_start3A_340 = tpu.memref_slice %arg7[%add3A_146, %dma_start3A_339] : memref<16384x128xf32, #tpu.memory_space<hbm>> -> memref<64x128xf32, #tpu.memory_space<hbm>>
      tpu.enqueue_dma source(%arg13 : memref<64x128xf32, #tpu.memory_space<vmem>>) target(%dma_start3A_340 : memref<64x128xf32, #tpu.memory_space<hbm>>) target_semaphore(%run_scoped3A : memref<!tpu.dma_semaphore, #tpu.memory_space<semaphore_mem>>)
      %dma_wait3A_341 = arith.constant 0 : i32
      %dma_wait3A_342 = tpu.memref_slice %arg7[%add3A_146, %dma_wait3A_341] : memref<16384x128xf32, #tpu.memory_space<hbm>> -> memref<64x128xf32, #tpu.memory_space<hbm>>
      %dma_wait3A_343 = arith.constant 0 : i32
      %dma_wait3A_344 = tpu.memref_slice %arg7[%add3A_146, %dma_wait3A_343] : memref<16384x128xf32, #tpu.memory_space<hbm>> -> memref<64x128xf32, #tpu.memory_space<hbm>>
      tpu.wait_dma2 semaphore(%run_scoped3A : memref<!tpu.dma_semaphore, #tpu.memory_space<semaphore_mem>>) src(%arg13 : memref<64x128xf32, #tpu.memory_space<vmem>>) dst(%dma_wait3A_344 : memref<64x128xf32, #tpu.memory_space<hbm>>)
      tpu.yield
    }) : () -> ()
    "tpu.region"() ({
      %run_scoped3A = tpu.sem_alloc : memref<!tpu.dma_semaphore, #tpu.memory_space<semaphore_mem>>
      %dma_start3A_337 = arith.constant 0 : i32
      %dma_start3A_338 = tpu.memref_slice %arg8[%add3A_146, %dma_start3A_337] : memref<16384x128xf32, #tpu.memory_space<hbm>> -> memref<64x128xf32, #tpu.memory_space<hbm>>
      %dma_start3A_339 = arith.constant 0 : i32
      %dma_start3A_340 = tpu.memref_slice %arg8[%add3A_146, %dma_start3A_339] : memref<16384x128xf32, #tpu.memory_space<hbm>> -> memref<64x128xf32, #tpu.memory_space<hbm>>
      tpu.enqueue_dma source(%arg14 : memref<64x128xf32, #tpu.memory_space<vmem>>) target(%dma_start3A_340 : memref<64x128xf32, #tpu.memory_space<hbm>>) target_semaphore(%run_scoped3A : memref<!tpu.dma_semaphore, #tpu.memory_space<semaphore_mem>>)
      %dma_wait3A_341 = arith.constant 0 : i32
      %dma_wait3A_342 = tpu.memref_slice %arg8[%add3A_146, %dma_wait3A_341] : memref<16384x128xf32, #tpu.memory_space<hbm>> -> memref<64x128xf32, #tpu.memory_space<hbm>>
      %dma_wait3A_343 = arith.constant 0 : i32
      %dma_wait3A_344 = tpu.memref_slice %arg8[%add3A_146, %dma_wait3A_343] : memref<16384x128xf32, #tpu.memory_space<hbm>> -> memref<64x128xf32, #tpu.memory_space<hbm>>
      tpu.wait_dma2 semaphore(%run_scoped3A : memref<!tpu.dma_semaphore, #tpu.memory_space<semaphore_mem>>) src(%arg14 : memref<64x128xf32, #tpu.memory_space<vmem>>) dst(%dma_wait3A_344 : memref<64x128xf32, #tpu.memory_space<hbm>>)
      tpu.yield
    }) : () -> ()
    "tpu.region"() ({
      %run_scoped3A = tpu.sem_alloc : memref<!tpu.dma_semaphore, #tpu.memory_space<semaphore_mem>>
      %dma_start3A_337 = arith.constant 0 : i32
      %dma_start3A_338 = tpu.memref_slice %arg9[%add3A_146, %dma_start3A_337] : memref<16384x128xf32, #tpu.memory_space<hbm>> -> memref<64x128xf32, #tpu.memory_space<hbm>>
      %dma_start3A_339 = arith.constant 0 : i32
      %dma_start3A_340 = tpu.memref_slice %arg9[%add3A_146, %dma_start3A_339] : memref<16384x128xf32, #tpu.memory_space<hbm>> -> memref<64x128xf32, #tpu.memory_space<hbm>>
      tpu.enqueue_dma source(%arg15 : memref<64x128xf32, #tpu.memory_space<vmem>>) target(%dma_start3A_340 : memref<64x128xf32, #tpu.memory_space<hbm>>) target_semaphore(%run_scoped3A : memref<!tpu.dma_semaphore, #tpu.memory_space<semaphore_mem>>)
      %dma_wait3A_341 = arith.constant 0 : i32
      %dma_wait3A_342 = tpu.memref_slice %arg9[%add3A_146, %dma_wait3A_341] : memref<16384x128xf32, #tpu.memory_space<hbm>> -> memref<64x128xf32, #tpu.memory_space<hbm>>
      %dma_wait3A_343 = arith.constant 0 : i32
      %dma_wait3A_344 = tpu.memref_slice %arg9[%add3A_146, %dma_wait3A_343] : memref<16384x128xf32, #tpu.memory_space<hbm>> -> memref<64x128xf32, #tpu.memory_space<hbm>>
      tpu.wait_dma2 semaphore(%run_scoped3A : memref<!tpu.dma_semaphore, #tpu.memory_space<semaphore_mem>>) src(%arg15 : memref<64x128xf32, #tpu.memory_space<vmem>>) dst(%dma_wait3A_344 : memref<64x128xf32, #tpu.memory_space<hbm>>)
      tpu.yield
    }) : () -> ()
    "tpu.region"() ({
      %run_scoped3A = tpu.sem_alloc : memref<!tpu.dma_semaphore, #tpu.memory_space<semaphore_mem>>
      %dma_start3A_337 = arith.constant 0 : i32
      %dma_start3A_338 = tpu.memref_slice %arg10[%add3A_146, %dma_start3A_337] : memref<16384x128xf32, #tpu.memory_space<hbm>> -> memref<64x128xf32, #tpu.memory_space<hbm>>
      %dma_start3A_339 = arith.constant 0 : i32
      %dma_start3A_340 = tpu.memref_slice %arg10[%add3A_146, %dma_start3A_339] : memref<16384x128xf32, #tpu.memory_space<hbm>> -> memref<64x128xf32, #tpu.memory_space<hbm>>
      tpu.enqueue_dma source(%arg16 : memref<64x128xf32, #tpu.memory_space<vmem>>) target(%dma_start3A_340 : memref<64x128xf32, #tpu.memory_space<hbm>>) target_semaphore(%run_scoped3A : memref<!tpu.dma_semaphore, #tpu.memory_space<semaphore_mem>>)
      %dma_wait3A_341 = arith.constant 0 : i32
      %dma_wait3A_342 = tpu.memref_slice %arg10[%add3A_146, %dma_wait3A_341] : memref<16384x128xf32, #tpu.memory_space<hbm>> -> memref<64x128xf32, #tpu.memory_space<hbm>>
      %dma_wait3A_343 = arith.constant 0 : i32
      %dma_wait3A_344 = tpu.memref_slice %arg10[%add3A_146, %dma_wait3A_343] : memref<16384x128xf32, #tpu.memory_space<hbm>> -> memref<64x128xf32, #tpu.memory_space<hbm>>
      tpu.wait_dma2 semaphore(%run_scoped3A : memref<!tpu.dma_semaphore, #tpu.memory_space<semaphore_mem>>) src(%arg16 : memref<64x128xf32, #tpu.memory_space<vmem>>) dst(%dma_wait3A_344 : memref<64x128xf32, #tpu.memory_space<hbm>>)
      tpu.yield
    }) : () -> ()
    %dma_start3A_147 = arith.constant 256 : i32
    %dma_start3A_148 = tpu.memref_slice %arg11[%dma_start3A_147] : memref<512xi32, #tpu.memory_space<vmem>> -> memref<64xi32, #tpu.memory_space<vmem>>
    %dma_start3A_149 = arith.constant 0 : i32
    %dma_start3A_150 = arith.constant 0 : i32
    %dma_start3A_151 = tpu.memref_slice %arg4[%dma_start3A_149, %dma_start3A_150] : memref<100000x128xf32, #tpu.memory_space<hbm>> -> memref<100000x128xf32, #tpu.memory_space<hbm>>
    tpu.enqueue_indirect_dma source(%dma_start3A_151 : memref<100000x128xf32, #tpu.memory_space<hbm>>) target(%arg13 : memref<64x128xf32, #tpu.memory_space<vmem>>) offsets(%dma_start3A_148 : memref<64xi32, #tpu.memory_space<vmem>>) semaphore(%arg21 : memref<!tpu.dma_semaphore, #tpu.memory_space<semaphore_mem>>)
    %dma_start3A_152 = arith.constant 256 : i32
    %dma_start3A_153 = tpu.memref_slice %arg12[%dma_start3A_152] : memref<512xi32, #tpu.memory_space<vmem>> -> memref<64xi32, #tpu.memory_space<vmem>>
    %dma_start3A_154 = arith.constant 0 : i32
    %dma_start3A_155 = arith.constant 0 : i32
    %dma_start3A_156 = tpu.memref_slice %arg5[%dma_start3A_154, %dma_start3A_155] : memref<100000x128xf32, #tpu.memory_space<hbm>> -> memref<100000x128xf32, #tpu.memory_space<hbm>>
    tpu.enqueue_indirect_dma source(%dma_start3A_156 : memref<100000x128xf32, #tpu.memory_space<hbm>>) target(%arg14 : memref<64x128xf32, #tpu.memory_space<vmem>>) offsets(%dma_start3A_153 : memref<64xi32, #tpu.memory_space<vmem>>) semaphore(%arg21 : memref<!tpu.dma_semaphore, #tpu.memory_space<semaphore_mem>>)
    %dma_start3A_157 = arith.constant 256 : i32
    %dma_start3A_158 = tpu.memref_slice %arg11[%dma_start3A_157] : memref<512xi32, #tpu.memory_space<vmem>> -> memref<64xi32, #tpu.memory_space<vmem>>
    %dma_start3A_159 = arith.constant 0 : i32
    %dma_start3A_160 = arith.constant 0 : i32
    %dma_start3A_161 = tpu.memref_slice %arg6[%dma_start3A_159, %dma_start3A_160] : memref<100000x128xf32, #tpu.memory_space<hbm>> -> memref<100000x128xf32, #tpu.memory_space<hbm>>
    tpu.enqueue_indirect_dma source(%dma_start3A_161 : memref<100000x128xf32, #tpu.memory_space<hbm>>) target(%arg15 : memref<64x128xf32, #tpu.memory_space<vmem>>) offsets(%dma_start3A_158 : memref<64xi32, #tpu.memory_space<vmem>>) semaphore(%arg21 : memref<!tpu.dma_semaphore, #tpu.memory_space<semaphore_mem>>)
    %dma_start3A_162 = arith.constant 256 : i32
    %dma_start3A_163 = tpu.memref_slice %arg12[%dma_start3A_162] : memref<512xi32, #tpu.memory_space<vmem>> -> memref<64xi32, #tpu.memory_space<vmem>>
    %dma_start3A_164 = arith.constant 0 : i32
    %dma_start3A_165 = arith.constant 0 : i32
    %dma_start3A_166 = tpu.memref_slice %arg6[%dma_start3A_164, %dma_start3A_165] : memref<100000x128xf32, #tpu.memory_space<hbm>> -> memref<100000x128xf32, #tpu.memory_space<hbm>>
    tpu.enqueue_indirect_dma source(%dma_start3A_166 : memref<100000x128xf32, #tpu.memory_space<hbm>>) target(%arg16 : memref<64x128xf32, #tpu.memory_space<vmem>>) offsets(%dma_start3A_163 : memref<64xi32, #tpu.memory_space<vmem>>) semaphore(%arg21 : memref<!tpu.dma_semaphore, #tpu.memory_space<semaphore_mem>>)
    %dma_wait3A_167 = arith.constant 192 : i32
    %dma_wait3A_168 = tpu.memref_slice %arg11[%dma_wait3A_167] : memref<512xi32, #tpu.memory_space<vmem>> -> memref<64xi32, #tpu.memory_space<vmem>>
    %dma_wait3A_169 = arith.constant 0 : i32
    %dma_wait3A_170 = arith.constant 0 : i32
    %dma_wait3A_171 = tpu.memref_slice %arg4[%dma_wait3A_169, %dma_wait3A_170] : memref<100000x128xf32, #tpu.memory_space<hbm>> -> memref<100000x128xf32, #tpu.memory_space<hbm>>
    tpu.wait_indirect_dma semaphore(%arg21 : memref<!tpu.dma_semaphore, #tpu.memory_space<semaphore_mem>>) src(%dma_wait3A_171 : memref<100000x128xf32, #tpu.memory_space<hbm>>) dst(%arg17 : memref<64x128xf32, #tpu.memory_space<vmem>>)
    %dma_wait3A_172 = arith.constant 192 : i32
    %dma_wait3A_173 = tpu.memref_slice %arg12[%dma_wait3A_172] : memref<512xi32, #tpu.memory_space<vmem>> -> memref<64xi32, #tpu.memory_space<vmem>>
    %dma_wait3A_174 = arith.constant 0 : i32
    %dma_wait3A_175 = arith.constant 0 : i32
    %dma_wait3A_176 = tpu.memref_slice %arg5[%dma_wait3A_174, %dma_wait3A_175] : memref<100000x128xf32, #tpu.memory_space<hbm>> -> memref<100000x128xf32, #tpu.memory_space<hbm>>
    tpu.wait_indirect_dma semaphore(%arg21 : memref<!tpu.dma_semaphore, #tpu.memory_space<semaphore_mem>>) src(%dma_wait3A_176 : memref<100000x128xf32, #tpu.memory_space<hbm>>) dst(%arg18 : memref<64x128xf32, #tpu.memory_space<vmem>>)
    %dma_wait3A_177 = arith.constant 192 : i32
    %dma_wait3A_178 = tpu.memref_slice %arg11[%dma_wait3A_177] : memref<512xi32, #tpu.memory_space<vmem>> -> memref<64xi32, #tpu.memory_space<vmem>>
    %dma_wait3A_179 = arith.constant 0 : i32
    %dma_wait3A_180 = arith.constant 0 : i32
    %dma_wait3A_181 = tpu.memref_slice %arg6[%dma_wait3A_179, %dma_wait3A_180] : memref<100000x128xf32, #tpu.memory_space<hbm>> -> memref<100000x128xf32, #tpu.memory_space<hbm>>
    tpu.wait_indirect_dma semaphore(%arg21 : memref<!tpu.dma_semaphore, #tpu.memory_space<semaphore_mem>>) src(%dma_wait3A_181 : memref<100000x128xf32, #tpu.memory_space<hbm>>) dst(%arg19 : memref<64x128xf32, #tpu.memory_space<vmem>>)
    %dma_wait3A_182 = arith.constant 192 : i32
    %dma_wait3A_183 = tpu.memref_slice %arg12[%dma_wait3A_182] : memref<512xi32, #tpu.memory_space<vmem>> -> memref<64xi32, #tpu.memory_space<vmem>>
    %dma_wait3A_184 = arith.constant 0 : i32
    %dma_wait3A_185 = arith.constant 0 : i32
    %dma_wait3A_186 = tpu.memref_slice %arg6[%dma_wait3A_184, %dma_wait3A_185] : memref<100000x128xf32, #tpu.memory_space<hbm>> -> memref<100000x128xf32, #tpu.memory_space<hbm>>
    tpu.wait_indirect_dma semaphore(%arg21 : memref<!tpu.dma_semaphore, #tpu.memory_space<semaphore_mem>>) src(%dma_wait3A_186 : memref<100000x128xf32, #tpu.memory_space<hbm>>) dst(%arg20 : memref<64x128xf32, #tpu.memory_space<vmem>>)
    %add3A_187 = arith.constant 192 : i32
    %add3A_188 = arith.addi %mul3A_2, %add3A_187 : i32
    "tpu.region"() ({
      %run_scoped3A = tpu.sem_alloc : memref<!tpu.dma_semaphore, #tpu.memory_space<semaphore_mem>>
      %dma_start3A_337 = arith.constant 0 : i32
      %dma_start3A_338 = tpu.memref_slice %arg7[%add3A_188, %dma_start3A_337] : memref<16384x128xf32, #tpu.memory_space<hbm>> -> memref<64x128xf32, #tpu.memory_space<hbm>>
      %dma_start3A_339 = arith.constant 0 : i32
      %dma_start3A_340 = tpu.memref_slice %arg7[%add3A_188, %dma_start3A_339] : memref<16384x128xf32, #tpu.memory_space<hbm>> -> memref<64x128xf32, #tpu.memory_space<hbm>>
      tpu.enqueue_dma source(%arg17 : memref<64x128xf32, #tpu.memory_space<vmem>>) target(%dma_start3A_340 : memref<64x128xf32, #tpu.memory_space<hbm>>) target_semaphore(%run_scoped3A : memref<!tpu.dma_semaphore, #tpu.memory_space<semaphore_mem>>)
      %dma_wait3A_341 = arith.constant 0 : i32
      %dma_wait3A_342 = tpu.memref_slice %arg7[%add3A_188, %dma_wait3A_341] : memref<16384x128xf32, #tpu.memory_space<hbm>> -> memref<64x128xf32, #tpu.memory_space<hbm>>
      %dma_wait3A_343 = arith.constant 0 : i32
      %dma_wait3A_344 = tpu.memref_slice %arg7[%add3A_188, %dma_wait3A_343] : memref<16384x128xf32, #tpu.memory_space<hbm>> -> memref<64x128xf32, #tpu.memory_space<hbm>>
      tpu.wait_dma2 semaphore(%run_scoped3A : memref<!tpu.dma_semaphore, #tpu.memory_space<semaphore_mem>>) src(%arg17 : memref<64x128xf32, #tpu.memory_space<vmem>>) dst(%dma_wait3A_344 : memref<64x128xf32, #tpu.memory_space<hbm>>)
      tpu.yield
    }) : () -> ()
    "tpu.region"() ({
      %run_scoped3A = tpu.sem_alloc : memref<!tpu.dma_semaphore, #tpu.memory_space<semaphore_mem>>
      %dma_start3A_337 = arith.constant 0 : i32
      %dma_start3A_338 = tpu.memref_slice %arg8[%add3A_188, %dma_start3A_337] : memref<16384x128xf32, #tpu.memory_space<hbm>> -> memref<64x128xf32, #tpu.memory_space<hbm>>
      %dma_start3A_339 = arith.constant 0 : i32
      %dma_start3A_340 = tpu.memref_slice %arg8[%add3A_188, %dma_start3A_339] : memref<16384x128xf32, #tpu.memory_space<hbm>> -> memref<64x128xf32, #tpu.memory_space<hbm>>
      tpu.enqueue_dma source(%arg18 : memref<64x128xf32, #tpu.memory_space<vmem>>) target(%dma_start3A_340 : memref<64x128xf32, #tpu.memory_space<hbm>>) target_semaphore(%run_scoped3A : memref<!tpu.dma_semaphore, #tpu.memory_space<semaphore_mem>>)
      %dma_wait3A_341 = arith.constant 0 : i32
      %dma_wait3A_342 = tpu.memref_slice %arg8[%add3A_188, %dma_wait3A_341] : memref<16384x128xf32, #tpu.memory_space<hbm>> -> memref<64x128xf32, #tpu.memory_space<hbm>>
      %dma_wait3A_343 = arith.constant 0 : i32
      %dma_wait3A_344 = tpu.memref_slice %arg8[%add3A_188, %dma_wait3A_343] : memref<16384x128xf32, #tpu.memory_space<hbm>> -> memref<64x128xf32, #tpu.memory_space<hbm>>
      tpu.wait_dma2 semaphore(%run_scoped3A : memref<!tpu.dma_semaphore, #tpu.memory_space<semaphore_mem>>) src(%arg18 : memref<64x128xf32, #tpu.memory_space<vmem>>) dst(%dma_wait3A_344 : memref<64x128xf32, #tpu.memory_space<hbm>>)
      tpu.yield
    }) : () -> ()
    "tpu.region"() ({
      %run_scoped3A = tpu.sem_alloc : memref<!tpu.dma_semaphore, #tpu.memory_space<semaphore_mem>>
      %dma_start3A_337 = arith.constant 0 : i32
      %dma_start3A_338 = tpu.memref_slice %arg9[%add3A_188, %dma_start3A_337] : memref<16384x128xf32, #tpu.memory_space<hbm>> -> memref<64x128xf32, #tpu.memory_space<hbm>>
      %dma_start3A_339 = arith.constant 0 : i32
      %dma_start3A_340 = tpu.memref_slice %arg9[%add3A_188, %dma_start3A_339] : memref<16384x128xf32, #tpu.memory_space<hbm>> -> memref<64x128xf32, #tpu.memory_space<hbm>>
      tpu.enqueue_dma source(%arg19 : memref<64x128xf32, #tpu.memory_space<vmem>>) target(%dma_start3A_340 : memref<64x128xf32, #tpu.memory_space<hbm>>) target_semaphore(%run_scoped3A : memref<!tpu.dma_semaphore, #tpu.memory_space<semaphore_mem>>)
      %dma_wait3A_341 = arith.constant 0 : i32
      %dma_wait3A_342 = tpu.memref_slice %arg9[%add3A_188, %dma_wait3A_341] : memref<16384x128xf32, #tpu.memory_space<hbm>> -> memref<64x128xf32, #tpu.memory_space<hbm>>
      %dma_wait3A_343 = arith.constant 0 : i32
      %dma_wait3A_344 = tpu.memref_slice %arg9[%add3A_188, %dma_wait3A_343] : memref<16384x128xf32, #tpu.memory_space<hbm>> -> memref<64x128xf32, #tpu.memory_space<hbm>>
      tpu.wait_dma2 semaphore(%run_scoped3A : memref<!tpu.dma_semaphore, #tpu.memory_space<semaphore_mem>>) src(%arg19 : memref<64x128xf32, #tpu.memory_space<vmem>>) dst(%dma_wait3A_344 : memref<64x128xf32, #tpu.memory_space<hbm>>)
      tpu.yield
    }) : () -> ()
    "tpu.region"() ({
      %run_scoped3A = tpu.sem_alloc : memref<!tpu.dma_semaphore, #tpu.memory_space<semaphore_mem>>
      %dma_start3A_337 = arith.constant 0 : i32
      %dma_start3A_338 = tpu.memref_slice %arg10[%add3A_188, %dma_start3A_337] : memref<16384x128xf32, #tpu.memory_space<hbm>> -> memref<64x128xf32, #tpu.memory_space<hbm>>
      %dma_start3A_339 = arith.constant 0 : i32
      %dma_start3A_340 = tpu.memref_slice %arg10[%add3A_188, %dma_start3A_339] : memref<16384x128xf32, #tpu.memory_space<hbm>> -> memref<64x128xf32, #tpu.memory_space<hbm>>
      tpu.enqueue_dma source(%arg20 : memref<64x128xf32, #tpu.memory_space<vmem>>) target(%dma_start3A_340 : memref<64x128xf32, #tpu.memory_space<hbm>>) target_semaphore(%run_scoped3A : memref<!tpu.dma_semaphore, #tpu.memory_space<semaphore_mem>>)
      %dma_wait3A_341 = arith.constant 0 : i32
      %dma_wait3A_342 = tpu.memref_slice %arg10[%add3A_188, %dma_wait3A_341] : memref<16384x128xf32, #tpu.memory_space<hbm>> -> memref<64x128xf32, #tpu.memory_space<hbm>>
      %dma_wait3A_343 = arith.constant 0 : i32
      %dma_wait3A_344 = tpu.memref_slice %arg10[%add3A_188, %dma_wait3A_343] : memref<16384x128xf32, #tpu.memory_space<hbm>> -> memref<64x128xf32, #tpu.memory_space<hbm>>
      tpu.wait_dma2 semaphore(%run_scoped3A : memref<!tpu.dma_semaphore, #tpu.memory_space<semaphore_mem>>) src(%arg20 : memref<64x128xf32, #tpu.memory_space<vmem>>) dst(%dma_wait3A_344 : memref<64x128xf32, #tpu.memory_space<hbm>>)
      tpu.yield
    }) : () -> ()
    %dma_start3A_189 = arith.constant 320 : i32
    %dma_start3A_190 = tpu.memref_slice %arg11[%dma_start3A_189] : memref<512xi32, #tpu.memory_space<vmem>> -> memref<64xi32, #tpu.memory_space<vmem>>
    %dma_start3A_191 = arith.constant 0 : i32
    %dma_start3A_192 = arith.constant 0 : i32
    %dma_start3A_193 = tpu.memref_slice %arg4[%dma_start3A_191, %dma_start3A_192] : memref<100000x128xf32, #tpu.memory_space<hbm>> -> memref<100000x128xf32, #tpu.memory_space<hbm>>
    tpu.enqueue_indirect_dma source(%dma_start3A_193 : memref<100000x128xf32, #tpu.memory_space<hbm>>) target(%arg17 : memref<64x128xf32, #tpu.memory_space<vmem>>) offsets(%dma_start3A_190 : memref<64xi32, #tpu.memory_space<vmem>>) semaphore(%arg21 : memref<!tpu.dma_semaphore, #tpu.memory_space<semaphore_mem>>)
    %dma_start3A_194 = arith.constant 320 : i32
    %dma_start3A_195 = tpu.memref_slice %arg12[%dma_start3A_194] : memref<512xi32, #tpu.memory_space<vmem>> -> memref<64xi32, #tpu.memory_space<vmem>>
    %dma_start3A_196 = arith.constant 0 : i32
    %dma_start3A_197 = arith.constant 0 : i32
    %dma_start3A_198 = tpu.memref_slice %arg5[%dma_start3A_196, %dma_start3A_197] : memref<100000x128xf32, #tpu.memory_space<hbm>> -> memref<100000x128xf32, #tpu.memory_space<hbm>>
    tpu.enqueue_indirect_dma source(%dma_start3A_198 : memref<100000x128xf32, #tpu.memory_space<hbm>>) target(%arg18 : memref<64x128xf32, #tpu.memory_space<vmem>>) offsets(%dma_start3A_195 : memref<64xi32, #tpu.memory_space<vmem>>) semaphore(%arg21 : memref<!tpu.dma_semaphore, #tpu.memory_space<semaphore_mem>>)
    %dma_start3A_199 = arith.constant 320 : i32
    %dma_start3A_200 = tpu.memref_slice %arg11[%dma_start3A_199] : memref<512xi32, #tpu.memory_space<vmem>> -> memref<64xi32, #tpu.memory_space<vmem>>
    %dma_start3A_201 = arith.constant 0 : i32
    %dma_start3A_202 = arith.constant 0 : i32
    %dma_start3A_203 = tpu.memref_slice %arg6[%dma_start3A_201, %dma_start3A_202] : memref<100000x128xf32, #tpu.memory_space<hbm>> -> memref<100000x128xf32, #tpu.memory_space<hbm>>
    tpu.enqueue_indirect_dma source(%dma_start3A_203 : memref<100000x128xf32, #tpu.memory_space<hbm>>) target(%arg19 : memref<64x128xf32, #tpu.memory_space<vmem>>) offsets(%dma_start3A_200 : memref<64xi32, #tpu.memory_space<vmem>>) semaphore(%arg21 : memref<!tpu.dma_semaphore, #tpu.memory_space<semaphore_mem>>)
    %dma_start3A_204 = arith.constant 320 : i32
    %dma_start3A_205 = tpu.memref_slice %arg12[%dma_start3A_204] : memref<512xi32, #tpu.memory_space<vmem>> -> memref<64xi32, #tpu.memory_space<vmem>>
    %dma_start3A_206 = arith.constant 0 : i32
    %dma_start3A_207 = arith.constant 0 : i32
    %dma_start3A_208 = tpu.memref_slice %arg6[%dma_start3A_206, %dma_start3A_207] : memref<100000x128xf32, #tpu.memory_space<hbm>> -> memref<100000x128xf32, #tpu.memory_space<hbm>>
    tpu.enqueue_indirect_dma source(%dma_start3A_208 : memref<100000x128xf32, #tpu.memory_space<hbm>>) target(%arg20 : memref<64x128xf32, #tpu.memory_space<vmem>>) offsets(%dma_start3A_205 : memref<64xi32, #tpu.memory_space<vmem>>) semaphore(%arg21 : memref<!tpu.dma_semaphore, #tpu.memory_space<semaphore_mem>>)
    %dma_wait3A_209 = arith.constant 256 : i32
    %dma_wait3A_210 = tpu.memref_slice %arg11[%dma_wait3A_209] : memref<512xi32, #tpu.memory_space<vmem>> -> memref<64xi32, #tpu.memory_space<vmem>>
    %dma_wait3A_211 = arith.constant 0 : i32
    %dma_wait3A_212 = arith.constant 0 : i32
    %dma_wait3A_213 = tpu.memref_slice %arg4[%dma_wait3A_211, %dma_wait3A_212] : memref<100000x128xf32, #tpu.memory_space<hbm>> -> memref<100000x128xf32, #tpu.memory_space<hbm>>
    tpu.wait_indirect_dma semaphore(%arg21 : memref<!tpu.dma_semaphore, #tpu.memory_space<semaphore_mem>>) src(%dma_wait3A_213 : memref<100000x128xf32, #tpu.memory_space<hbm>>) dst(%arg13 : memref<64x128xf32, #tpu.memory_space<vmem>>)
    %dma_wait3A_214 = arith.constant 256 : i32
    %dma_wait3A_215 = tpu.memref_slice %arg12[%dma_wait3A_214] : memref<512xi32, #tpu.memory_space<vmem>> -> memref<64xi32, #tpu.memory_space<vmem>>
    %dma_wait3A_216 = arith.constant 0 : i32
    %dma_wait3A_217 = arith.constant 0 : i32
    %dma_wait3A_218 = tpu.memref_slice %arg5[%dma_wait3A_216, %dma_wait3A_217] : memref<100000x128xf32, #tpu.memory_space<hbm>> -> memref<100000x128xf32, #tpu.memory_space<hbm>>
    tpu.wait_indirect_dma semaphore(%arg21 : memref<!tpu.dma_semaphore, #tpu.memory_space<semaphore_mem>>) src(%dma_wait3A_218 : memref<100000x128xf32, #tpu.memory_space<hbm>>) dst(%arg14 : memref<64x128xf32, #tpu.memory_space<vmem>>)
    %dma_wait3A_219 = arith.constant 256 : i32
    %dma_wait3A_220 = tpu.memref_slice %arg11[%dma_wait3A_219] : memref<512xi32, #tpu.memory_space<vmem>> -> memref<64xi32, #tpu.memory_space<vmem>>
    %dma_wait3A_221 = arith.constant 0 : i32
    %dma_wait3A_222 = arith.constant 0 : i32
    %dma_wait3A_223 = tpu.memref_slice %arg6[%dma_wait3A_221, %dma_wait3A_222] : memref<100000x128xf32, #tpu.memory_space<hbm>> -> memref<100000x128xf32, #tpu.memory_space<hbm>>
    tpu.wait_indirect_dma semaphore(%arg21 : memref<!tpu.dma_semaphore, #tpu.memory_space<semaphore_mem>>) src(%dma_wait3A_223 : memref<100000x128xf32, #tpu.memory_space<hbm>>) dst(%arg15 : memref<64x128xf32, #tpu.memory_space<vmem>>)
    %dma_wait3A_224 = arith.constant 256 : i32
    %dma_wait3A_225 = tpu.memref_slice %arg12[%dma_wait3A_224] : memref<512xi32, #tpu.memory_space<vmem>> -> memref<64xi32, #tpu.memory_space<vmem>>
    %dma_wait3A_226 = arith.constant 0 : i32
    %dma_wait3A_227 = arith.constant 0 : i32
    %dma_wait3A_228 = tpu.memref_slice %arg6[%dma_wait3A_226, %dma_wait3A_227] : memref<100000x128xf32, #tpu.memory_space<hbm>> -> memref<100000x128xf32, #tpu.memory_space<hbm>>
    tpu.wait_indirect_dma semaphore(%arg21 : memref<!tpu.dma_semaphore, #tpu.memory_space<semaphore_mem>>) src(%dma_wait3A_228 : memref<100000x128xf32, #tpu.memory_space<hbm>>) dst(%arg16 : memref<64x128xf32, #tpu.memory_space<vmem>>)
    %add3A_229 = arith.constant 256 : i32
    %add3A_230 = arith.addi %mul3A_2, %add3A_229 : i32
    "tpu.region"() ({
      %run_scoped3A = tpu.sem_alloc : memref<!tpu.dma_semaphore, #tpu.memory_space<semaphore_mem>>
      %dma_start3A_337 = arith.constant 0 : i32
      %dma_start3A_338 = tpu.memref_slice %arg7[%add3A_230, %dma_start3A_337] : memref<16384x128xf32, #tpu.memory_space<hbm>> -> memref<64x128xf32, #tpu.memory_space<hbm>>
      %dma_start3A_339 = arith.constant 0 : i32
      %dma_start3A_340 = tpu.memref_slice %arg7[%add3A_230, %dma_start3A_339] : memref<16384x128xf32, #tpu.memory_space<hbm>> -> memref<64x128xf32, #tpu.memory_space<hbm>>
      tpu.enqueue_dma source(%arg13 : memref<64x128xf32, #tpu.memory_space<vmem>>) target(%dma_start3A_340 : memref<64x128xf32, #tpu.memory_space<hbm>>) target_semaphore(%run_scoped3A : memref<!tpu.dma_semaphore, #tpu.memory_space<semaphore_mem>>)
      %dma_wait3A_341 = arith.constant 0 : i32
      %dma_wait3A_342 = tpu.memref_slice %arg7[%add3A_230, %dma_wait3A_341] : memref<16384x128xf32, #tpu.memory_space<hbm>> -> memref<64x128xf32, #tpu.memory_space<hbm>>
      %dma_wait3A_343 = arith.constant 0 : i32
      %dma_wait3A_344 = tpu.memref_slice %arg7[%add3A_230, %dma_wait3A_343] : memref<16384x128xf32, #tpu.memory_space<hbm>> -> memref<64x128xf32, #tpu.memory_space<hbm>>
      tpu.wait_dma2 semaphore(%run_scoped3A : memref<!tpu.dma_semaphore, #tpu.memory_space<semaphore_mem>>) src(%arg13 : memref<64x128xf32, #tpu.memory_space<vmem>>) dst(%dma_wait3A_344 : memref<64x128xf32, #tpu.memory_space<hbm>>)
      tpu.yield
    }) : () -> ()
    "tpu.region"() ({
      %run_scoped3A = tpu.sem_alloc : memref<!tpu.dma_semaphore, #tpu.memory_space<semaphore_mem>>
      %dma_start3A_337 = arith.constant 0 : i32
      %dma_start3A_338 = tpu.memref_slice %arg8[%add3A_230, %dma_start3A_337] : memref<16384x128xf32, #tpu.memory_space<hbm>> -> memref<64x128xf32, #tpu.memory_space<hbm>>
      %dma_start3A_339 = arith.constant 0 : i32
      %dma_start3A_340 = tpu.memref_slice %arg8[%add3A_230, %dma_start3A_339] : memref<16384x128xf32, #tpu.memory_space<hbm>> -> memref<64x128xf32, #tpu.memory_space<hbm>>
      tpu.enqueue_dma source(%arg14 : memref<64x128xf32, #tpu.memory_space<vmem>>) target(%dma_start3A_340 : memref<64x128xf32, #tpu.memory_space<hbm>>) target_semaphore(%run_scoped3A : memref<!tpu.dma_semaphore, #tpu.memory_space<semaphore_mem>>)
      %dma_wait3A_341 = arith.constant 0 : i32
      %dma_wait3A_342 = tpu.memref_slice %arg8[%add3A_230, %dma_wait3A_341] : memref<16384x128xf32, #tpu.memory_space<hbm>> -> memref<64x128xf32, #tpu.memory_space<hbm>>
      %dma_wait3A_343 = arith.constant 0 : i32
      %dma_wait3A_344 = tpu.memref_slice %arg8[%add3A_230, %dma_wait3A_343] : memref<16384x128xf32, #tpu.memory_space<hbm>> -> memref<64x128xf32, #tpu.memory_space<hbm>>
      tpu.wait_dma2 semaphore(%run_scoped3A : memref<!tpu.dma_semaphore, #tpu.memory_space<semaphore_mem>>) src(%arg14 : memref<64x128xf32, #tpu.memory_space<vmem>>) dst(%dma_wait3A_344 : memref<64x128xf32, #tpu.memory_space<hbm>>)
      tpu.yield
    }) : () -> ()
    "tpu.region"() ({
      %run_scoped3A = tpu.sem_alloc : memref<!tpu.dma_semaphore, #tpu.memory_space<semaphore_mem>>
      %dma_start3A_337 = arith.constant 0 : i32
      %dma_start3A_338 = tpu.memref_slice %arg9[%add3A_230, %dma_start3A_337] : memref<16384x128xf32, #tpu.memory_space<hbm>> -> memref<64x128xf32, #tpu.memory_space<hbm>>
      %dma_start3A_339 = arith.constant 0 : i32
      %dma_start3A_340 = tpu.memref_slice %arg9[%add3A_230, %dma_start3A_339] : memref<16384x128xf32, #tpu.memory_space<hbm>> -> memref<64x128xf32, #tpu.memory_space<hbm>>
      tpu.enqueue_dma source(%arg15 : memref<64x128xf32, #tpu.memory_space<vmem>>) target(%dma_start3A_340 : memref<64x128xf32, #tpu.memory_space<hbm>>) target_semaphore(%run_scoped3A : memref<!tpu.dma_semaphore, #tpu.memory_space<semaphore_mem>>)
      %dma_wait3A_341 = arith.constant 0 : i32
      %dma_wait3A_342 = tpu.memref_slice %arg9[%add3A_230, %dma_wait3A_341] : memref<16384x128xf32, #tpu.memory_space<hbm>> -> memref<64x128xf32, #tpu.memory_space<hbm>>
      %dma_wait3A_343 = arith.constant 0 : i32
      %dma_wait3A_344 = tpu.memref_slice %arg9[%add3A_230, %dma_wait3A_343] : memref<16384x128xf32, #tpu.memory_space<hbm>> -> memref<64x128xf32, #tpu.memory_space<hbm>>
      tpu.wait_dma2 semaphore(%run_scoped3A : memref<!tpu.dma_semaphore, #tpu.memory_space<semaphore_mem>>) src(%arg15 : memref<64x128xf32, #tpu.memory_space<vmem>>) dst(%dma_wait3A_344 : memref<64x128xf32, #tpu.memory_space<hbm>>)
      tpu.yield
    }) : () -> ()
    "tpu.region"() ({
      %run_scoped3A = tpu.sem_alloc : memref<!tpu.dma_semaphore, #tpu.memory_space<semaphore_mem>>
      %dma_start3A_337 = arith.constant 0 : i32
      %dma_start3A_338 = tpu.memref_slice %arg10[%add3A_230, %dma_start3A_337] : memref<16384x128xf32, #tpu.memory_space<hbm>> -> memref<64x128xf32, #tpu.memory_space<hbm>>
      %dma_start3A_339 = arith.constant 0 : i32
      %dma_start3A_340 = tpu.memref_slice %arg10[%add3A_230, %dma_start3A_339] : memref<16384x128xf32, #tpu.memory_space<hbm>> -> memref<64x128xf32, #tpu.memory_space<hbm>>
      tpu.enqueue_dma source(%arg16 : memref<64x128xf32, #tpu.memory_space<vmem>>) target(%dma_start3A_340 : memref<64x128xf32, #tpu.memory_space<hbm>>) target_semaphore(%run_scoped3A : memref<!tpu.dma_semaphore, #tpu.memory_space<semaphore_mem>>)
      %dma_wait3A_341 = arith.constant 0 : i32
      %dma_wait3A_342 = tpu.memref_slice %arg10[%add3A_230, %dma_wait3A_341] : memref<16384x128xf32, #tpu.memory_space<hbm>> -> memref<64x128xf32, #tpu.memory_space<hbm>>
      %dma_wait3A_343 = arith.constant 0 : i32
      %dma_wait3A_344 = tpu.memref_slice %arg10[%add3A_230, %dma_wait3A_343] : memref<16384x128xf32, #tpu.memory_space<hbm>> -> memref<64x128xf32, #tpu.memory_space<hbm>>
      tpu.wait_dma2 semaphore(%run_scoped3A : memref<!tpu.dma_semaphore, #tpu.memory_space<semaphore_mem>>) src(%arg16 : memref<64x128xf32, #tpu.memory_space<vmem>>) dst(%dma_wait3A_344 : memref<64x128xf32, #tpu.memory_space<hbm>>)
      tpu.yield
    }) : () -> ()
    %dma_start3A_231 = arith.constant 384 : i32
    %dma_start3A_232 = tpu.memref_slice %arg11[%dma_start3A_231] : memref<512xi32, #tpu.memory_space<vmem>> -> memref<64xi32, #tpu.memory_space<vmem>>
    %dma_start3A_233 = arith.constant 0 : i32
    %dma_start3A_234 = arith.constant 0 : i32
    %dma_start3A_235 = tpu.memref_slice %arg4[%dma_start3A_233, %dma_start3A_234] : memref<100000x128xf32, #tpu.memory_space<hbm>> -> memref<100000x128xf32, #tpu.memory_space<hbm>>
    tpu.enqueue_indirect_dma source(%dma_start3A_235 : memref<100000x128xf32, #tpu.memory_space<hbm>>) target(%arg13 : memref<64x128xf32, #tpu.memory_space<vmem>>) offsets(%dma_start3A_232 : memref<64xi32, #tpu.memory_space<vmem>>) semaphore(%arg21 : memref<!tpu.dma_semaphore, #tpu.memory_space<semaphore_mem>>)
    %dma_start3A_236 = arith.constant 384 : i32
    %dma_start3A_237 = tpu.memref_slice %arg12[%dma_start3A_236] : memref<512xi32, #tpu.memory_space<vmem>> -> memref<64xi32, #tpu.memory_space<vmem>>
    %dma_start3A_238 = arith.constant 0 : i32
    %dma_start3A_239 = arith.constant 0 : i32
    %dma_start3A_240 = tpu.memref_slice %arg5[%dma_start3A_238, %dma_start3A_239] : memref<100000x128xf32, #tpu.memory_space<hbm>> -> memref<100000x128xf32, #tpu.memory_space<hbm>>
    tpu.enqueue_indirect_dma source(%dma_start3A_240 : memref<100000x128xf32, #tpu.memory_space<hbm>>) target(%arg14 : memref<64x128xf32, #tpu.memory_space<vmem>>) offsets(%dma_start3A_237 : memref<64xi32, #tpu.memory_space<vmem>>) semaphore(%arg21 : memref<!tpu.dma_semaphore, #tpu.memory_space<semaphore_mem>>)
    %dma_start3A_241 = arith.constant 384 : i32
    %dma_start3A_242 = tpu.memref_slice %arg11[%dma_start3A_241] : memref<512xi32, #tpu.memory_space<vmem>> -> memref<64xi32, #tpu.memory_space<vmem>>
    %dma_start3A_243 = arith.constant 0 : i32
    %dma_start3A_244 = arith.constant 0 : i32
    %dma_start3A_245 = tpu.memref_slice %arg6[%dma_start3A_243, %dma_start3A_244] : memref<100000x128xf32, #tpu.memory_space<hbm>> -> memref<100000x128xf32, #tpu.memory_space<hbm>>
    tpu.enqueue_indirect_dma source(%dma_start3A_245 : memref<100000x128xf32, #tpu.memory_space<hbm>>) target(%arg15 : memref<64x128xf32, #tpu.memory_space<vmem>>) offsets(%dma_start3A_242 : memref<64xi32, #tpu.memory_space<vmem>>) semaphore(%arg21 : memref<!tpu.dma_semaphore, #tpu.memory_space<semaphore_mem>>)
    %dma_start3A_246 = arith.constant 384 : i32
    %dma_start3A_247 = tpu.memref_slice %arg12[%dma_start3A_246] : memref<512xi32, #tpu.memory_space<vmem>> -> memref<64xi32, #tpu.memory_space<vmem>>
    %dma_start3A_248 = arith.constant 0 : i32
    %dma_start3A_249 = arith.constant 0 : i32
    %dma_start3A_250 = tpu.memref_slice %arg6[%dma_start3A_248, %dma_start3A_249] : memref<100000x128xf32, #tpu.memory_space<hbm>> -> memref<100000x128xf32, #tpu.memory_space<hbm>>
    tpu.enqueue_indirect_dma source(%dma_start3A_250 : memref<100000x128xf32, #tpu.memory_space<hbm>>) target(%arg16 : memref<64x128xf32, #tpu.memory_space<vmem>>) offsets(%dma_start3A_247 : memref<64xi32, #tpu.memory_space<vmem>>) semaphore(%arg21 : memref<!tpu.dma_semaphore, #tpu.memory_space<semaphore_mem>>)
    %dma_wait3A_251 = arith.constant 320 : i32
    %dma_wait3A_252 = tpu.memref_slice %arg11[%dma_wait3A_251] : memref<512xi32, #tpu.memory_space<vmem>> -> memref<64xi32, #tpu.memory_space<vmem>>
    %dma_wait3A_253 = arith.constant 0 : i32
    %dma_wait3A_254 = arith.constant 0 : i32
    %dma_wait3A_255 = tpu.memref_slice %arg4[%dma_wait3A_253, %dma_wait3A_254] : memref<100000x128xf32, #tpu.memory_space<hbm>> -> memref<100000x128xf32, #tpu.memory_space<hbm>>
    tpu.wait_indirect_dma semaphore(%arg21 : memref<!tpu.dma_semaphore, #tpu.memory_space<semaphore_mem>>) src(%dma_wait3A_255 : memref<100000x128xf32, #tpu.memory_space<hbm>>) dst(%arg17 : memref<64x128xf32, #tpu.memory_space<vmem>>)
    %dma_wait3A_256 = arith.constant 320 : i32
    %dma_wait3A_257 = tpu.memref_slice %arg12[%dma_wait3A_256] : memref<512xi32, #tpu.memory_space<vmem>> -> memref<64xi32, #tpu.memory_space<vmem>>
    %dma_wait3A_258 = arith.constant 0 : i32
    %dma_wait3A_259 = arith.constant 0 : i32
    %dma_wait3A_260 = tpu.memref_slice %arg5[%dma_wait3A_258, %dma_wait3A_259] : memref<100000x128xf32, #tpu.memory_space<hbm>> -> memref<100000x128xf32, #tpu.memory_space<hbm>>
    tpu.wait_indirect_dma semaphore(%arg21 : memref<!tpu.dma_semaphore, #tpu.memory_space<semaphore_mem>>) src(%dma_wait3A_260 : memref<100000x128xf32, #tpu.memory_space<hbm>>) dst(%arg18 : memref<64x128xf32, #tpu.memory_space<vmem>>)
    %dma_wait3A_261 = arith.constant 320 : i32
    %dma_wait3A_262 = tpu.memref_slice %arg11[%dma_wait3A_261] : memref<512xi32, #tpu.memory_space<vmem>> -> memref<64xi32, #tpu.memory_space<vmem>>
    %dma_wait3A_263 = arith.constant 0 : i32
    %dma_wait3A_264 = arith.constant 0 : i32
    %dma_wait3A_265 = tpu.memref_slice %arg6[%dma_wait3A_263, %dma_wait3A_264] : memref<100000x128xf32, #tpu.memory_space<hbm>> -> memref<100000x128xf32, #tpu.memory_space<hbm>>
    tpu.wait_indirect_dma semaphore(%arg21 : memref<!tpu.dma_semaphore, #tpu.memory_space<semaphore_mem>>) src(%dma_wait3A_265 : memref<100000x128xf32, #tpu.memory_space<hbm>>) dst(%arg19 : memref<64x128xf32, #tpu.memory_space<vmem>>)
    %dma_wait3A_266 = arith.constant 320 : i32
    %dma_wait3A_267 = tpu.memref_slice %arg12[%dma_wait3A_266] : memref<512xi32, #tpu.memory_space<vmem>> -> memref<64xi32, #tpu.memory_space<vmem>>
    %dma_wait3A_268 = arith.constant 0 : i32
    %dma_wait3A_269 = arith.constant 0 : i32
    %dma_wait3A_270 = tpu.memref_slice %arg6[%dma_wait3A_268, %dma_wait3A_269] : memref<100000x128xf32, #tpu.memory_space<hbm>> -> memref<100000x128xf32, #tpu.memory_space<hbm>>
    tpu.wait_indirect_dma semaphore(%arg21 : memref<!tpu.dma_semaphore, #tpu.memory_space<semaphore_mem>>) src(%dma_wait3A_270 : memref<100000x128xf32, #tpu.memory_space<hbm>>) dst(%arg20 : memref<64x128xf32, #tpu.memory_space<vmem>>)
    %add3A_271 = arith.constant 320 : i32
    %add3A_272 = arith.addi %mul3A_2, %add3A_271 : i32
    "tpu.region"() ({
      %run_scoped3A = tpu.sem_alloc : memref<!tpu.dma_semaphore, #tpu.memory_space<semaphore_mem>>
      %dma_start3A_337 = arith.constant 0 : i32
      %dma_start3A_338 = tpu.memref_slice %arg7[%add3A_272, %dma_start3A_337] : memref<16384x128xf32, #tpu.memory_space<hbm>> -> memref<64x128xf32, #tpu.memory_space<hbm>>
      %dma_start3A_339 = arith.constant 0 : i32
      %dma_start3A_340 = tpu.memref_slice %arg7[%add3A_272, %dma_start3A_339] : memref<16384x128xf32, #tpu.memory_space<hbm>> -> memref<64x128xf32, #tpu.memory_space<hbm>>
      tpu.enqueue_dma source(%arg17 : memref<64x128xf32, #tpu.memory_space<vmem>>) target(%dma_start3A_340 : memref<64x128xf32, #tpu.memory_space<hbm>>) target_semaphore(%run_scoped3A : memref<!tpu.dma_semaphore, #tpu.memory_space<semaphore_mem>>)
      %dma_wait3A_341 = arith.constant 0 : i32
      %dma_wait3A_342 = tpu.memref_slice %arg7[%add3A_272, %dma_wait3A_341] : memref<16384x128xf32, #tpu.memory_space<hbm>> -> memref<64x128xf32, #tpu.memory_space<hbm>>
      %dma_wait3A_343 = arith.constant 0 : i32
      %dma_wait3A_344 = tpu.memref_slice %arg7[%add3A_272, %dma_wait3A_343] : memref<16384x128xf32, #tpu.memory_space<hbm>> -> memref<64x128xf32, #tpu.memory_space<hbm>>
      tpu.wait_dma2 semaphore(%run_scoped3A : memref<!tpu.dma_semaphore, #tpu.memory_space<semaphore_mem>>) src(%arg17 : memref<64x128xf32, #tpu.memory_space<vmem>>) dst(%dma_wait3A_344 : memref<64x128xf32, #tpu.memory_space<hbm>>)
      tpu.yield
    }) : () -> ()
    "tpu.region"() ({
      %run_scoped3A = tpu.sem_alloc : memref<!tpu.dma_semaphore, #tpu.memory_space<semaphore_mem>>
      %dma_start3A_337 = arith.constant 0 : i32
      %dma_start3A_338 = tpu.memref_slice %arg8[%add3A_272, %dma_start3A_337] : memref<16384x128xf32, #tpu.memory_space<hbm>> -> memref<64x128xf32, #tpu.memory_space<hbm>>
      %dma_start3A_339 = arith.constant 0 : i32
      %dma_start3A_340 = tpu.memref_slice %arg8[%add3A_272, %dma_start3A_339] : memref<16384x128xf32, #tpu.memory_space<hbm>> -> memref<64x128xf32, #tpu.memory_space<hbm>>
      tpu.enqueue_dma source(%arg18 : memref<64x128xf32, #tpu.memory_space<vmem>>) target(%dma_start3A_340 : memref<64x128xf32, #tpu.memory_space<hbm>>) target_semaphore(%run_scoped3A : memref<!tpu.dma_semaphore, #tpu.memory_space<semaphore_mem>>)
      %dma_wait3A_341 = arith.constant 0 : i32
      %dma_wait3A_342 = tpu.memref_slice %arg8[%add3A_272, %dma_wait3A_341] : memref<16384x128xf32, #tpu.memory_space<hbm>> -> memref<64x128xf32, #tpu.memory_space<hbm>>
      %dma_wait3A_343 = arith.constant 0 : i32
      %dma_wait3A_344 = tpu.memref_slice %arg8[%add3A_272, %dma_wait3A_343] : memref<16384x128xf32, #tpu.memory_space<hbm>> -> memref<64x128xf32, #tpu.memory_space<hbm>>
      tpu.wait_dma2 semaphore(%run_scoped3A : memref<!tpu.dma_semaphore, #tpu.memory_space<semaphore_mem>>) src(%arg18 : memref<64x128xf32, #tpu.memory_space<vmem>>) dst(%dma_wait3A_344 : memref<64x128xf32, #tpu.memory_space<hbm>>)
      tpu.yield
    }) : () -> ()
    "tpu.region"() ({
      %run_scoped3A = tpu.sem_alloc : memref<!tpu.dma_semaphore, #tpu.memory_space<semaphore_mem>>
      %dma_start3A_337 = arith.constant 0 : i32
      %dma_start3A_338 = tpu.memref_slice %arg9[%add3A_272, %dma_start3A_337] : memref<16384x128xf32, #tpu.memory_space<hbm>> -> memref<64x128xf32, #tpu.memory_space<hbm>>
      %dma_start3A_339 = arith.constant 0 : i32
      %dma_start3A_340 = tpu.memref_slice %arg9[%add3A_272, %dma_start3A_339] : memref<16384x128xf32, #tpu.memory_space<hbm>> -> memref<64x128xf32, #tpu.memory_space<hbm>>
      tpu.enqueue_dma source(%arg19 : memref<64x128xf32, #tpu.memory_space<vmem>>) target(%dma_start3A_340 : memref<64x128xf32, #tpu.memory_space<hbm>>) target_semaphore(%run_scoped3A : memref<!tpu.dma_semaphore, #tpu.memory_space<semaphore_mem>>)
      %dma_wait3A_341 = arith.constant 0 : i32
      %dma_wait3A_342 = tpu.memref_slice %arg9[%add3A_272, %dma_wait3A_341] : memref<16384x128xf32, #tpu.memory_space<hbm>> -> memref<64x128xf32, #tpu.memory_space<hbm>>
      %dma_wait3A_343 = arith.constant 0 : i32
      %dma_wait3A_344 = tpu.memref_slice %arg9[%add3A_272, %dma_wait3A_343] : memref<16384x128xf32, #tpu.memory_space<hbm>> -> memref<64x128xf32, #tpu.memory_space<hbm>>
      tpu.wait_dma2 semaphore(%run_scoped3A : memref<!tpu.dma_semaphore, #tpu.memory_space<semaphore_mem>>) src(%arg19 : memref<64x128xf32, #tpu.memory_space<vmem>>) dst(%dma_wait3A_344 : memref<64x128xf32, #tpu.memory_space<hbm>>)
      tpu.yield
    }) : () -> ()
    "tpu.region"() ({
      %run_scoped3A = tpu.sem_alloc : memref<!tpu.dma_semaphore, #tpu.memory_space<semaphore_mem>>
      %dma_start3A_337 = arith.constant 0 : i32
      %dma_start3A_338 = tpu.memref_slice %arg10[%add3A_272, %dma_start3A_337] : memref<16384x128xf32, #tpu.memory_space<hbm>> -> memref<64x128xf32, #tpu.memory_space<hbm>>
      %dma_start3A_339 = arith.constant 0 : i32
      %dma_start3A_340 = tpu.memref_slice %arg10[%add3A_272, %dma_start3A_339] : memref<16384x128xf32, #tpu.memory_space<hbm>> -> memref<64x128xf32, #tpu.memory_space<hbm>>
      tpu.enqueue_dma source(%arg20 : memref<64x128xf32, #tpu.memory_space<vmem>>) target(%dma_start3A_340 : memref<64x128xf32, #tpu.memory_space<hbm>>) target_semaphore(%run_scoped3A : memref<!tpu.dma_semaphore, #tpu.memory_space<semaphore_mem>>)
      %dma_wait3A_341 = arith.constant 0 : i32
      %dma_wait3A_342 = tpu.memref_slice %arg10[%add3A_272, %dma_wait3A_341] : memref<16384x128xf32, #tpu.memory_space<hbm>> -> memref<64x128xf32, #tpu.memory_space<hbm>>
      %dma_wait3A_343 = arith.constant 0 : i32
      %dma_wait3A_344 = tpu.memref_slice %arg10[%add3A_272, %dma_wait3A_343] : memref<16384x128xf32, #tpu.memory_space<hbm>> -> memref<64x128xf32, #tpu.memory_space<hbm>>
      tpu.wait_dma2 semaphore(%run_scoped3A : memref<!tpu.dma_semaphore, #tpu.memory_space<semaphore_mem>>) src(%arg20 : memref<64x128xf32, #tpu.memory_space<vmem>>) dst(%dma_wait3A_344 : memref<64x128xf32, #tpu.memory_space<hbm>>)
      tpu.yield
    }) : () -> ()
    %dma_start3A_273 = arith.constant 448 : i32
    %dma_start3A_274 = tpu.memref_slice %arg11[%dma_start3A_273] : memref<512xi32, #tpu.memory_space<vmem>> -> memref<64xi32, #tpu.memory_space<vmem>>
    %dma_start3A_275 = arith.constant 0 : i32
    %dma_start3A_276 = arith.constant 0 : i32
    %dma_start3A_277 = tpu.memref_slice %arg4[%dma_start3A_275, %dma_start3A_276] : memref<100000x128xf32, #tpu.memory_space<hbm>> -> memref<100000x128xf32, #tpu.memory_space<hbm>>
    tpu.enqueue_indirect_dma source(%dma_start3A_277 : memref<100000x128xf32, #tpu.memory_space<hbm>>) target(%arg17 : memref<64x128xf32, #tpu.memory_space<vmem>>) offsets(%dma_start3A_274 : memref<64xi32, #tpu.memory_space<vmem>>) semaphore(%arg21 : memref<!tpu.dma_semaphore, #tpu.memory_space<semaphore_mem>>)
    %dma_start3A_278 = arith.constant 448 : i32
    %dma_start3A_279 = tpu.memref_slice %arg12[%dma_start3A_278] : memref<512xi32, #tpu.memory_space<vmem>> -> memref<64xi32, #tpu.memory_space<vmem>>
    %dma_start3A_280 = arith.constant 0 : i32
    %dma_start3A_281 = arith.constant 0 : i32
    %dma_start3A_282 = tpu.memref_slice %arg5[%dma_start3A_280, %dma_start3A_281] : memref<100000x128xf32, #tpu.memory_space<hbm>> -> memref<100000x128xf32, #tpu.memory_space<hbm>>
    tpu.enqueue_indirect_dma source(%dma_start3A_282 : memref<100000x128xf32, #tpu.memory_space<hbm>>) target(%arg18 : memref<64x128xf32, #tpu.memory_space<vmem>>) offsets(%dma_start3A_279 : memref<64xi32, #tpu.memory_space<vmem>>) semaphore(%arg21 : memref<!tpu.dma_semaphore, #tpu.memory_space<semaphore_mem>>)
    %dma_start3A_283 = arith.constant 448 : i32
    %dma_start3A_284 = tpu.memref_slice %arg11[%dma_start3A_283] : memref<512xi32, #tpu.memory_space<vmem>> -> memref<64xi32, #tpu.memory_space<vmem>>
    %dma_start3A_285 = arith.constant 0 : i32
    %dma_start3A_286 = arith.constant 0 : i32
    %dma_start3A_287 = tpu.memref_slice %arg6[%dma_start3A_285, %dma_start3A_286] : memref<100000x128xf32, #tpu.memory_space<hbm>> -> memref<100000x128xf32, #tpu.memory_space<hbm>>
    tpu.enqueue_indirect_dma source(%dma_start3A_287 : memref<100000x128xf32, #tpu.memory_space<hbm>>) target(%arg19 : memref<64x128xf32, #tpu.memory_space<vmem>>) offsets(%dma_start3A_284 : memref<64xi32, #tpu.memory_space<vmem>>) semaphore(%arg21 : memref<!tpu.dma_semaphore, #tpu.memory_space<semaphore_mem>>)
    %dma_start3A_288 = arith.constant 448 : i32
    %dma_start3A_289 = tpu.memref_slice %arg12[%dma_start3A_288] : memref<512xi32, #tpu.memory_space<vmem>> -> memref<64xi32, #tpu.memory_space<vmem>>
    %dma_start3A_290 = arith.constant 0 : i32
    %dma_start3A_291 = arith.constant 0 : i32
    %dma_start3A_292 = tpu.memref_slice %arg6[%dma_start3A_290, %dma_start3A_291] : memref<100000x128xf32, #tpu.memory_space<hbm>> -> memref<100000x128xf32, #tpu.memory_space<hbm>>
    tpu.enqueue_indirect_dma source(%dma_start3A_292 : memref<100000x128xf32, #tpu.memory_space<hbm>>) target(%arg20 : memref<64x128xf32, #tpu.memory_space<vmem>>) offsets(%dma_start3A_289 : memref<64xi32, #tpu.memory_space<vmem>>) semaphore(%arg21 : memref<!tpu.dma_semaphore, #tpu.memory_space<semaphore_mem>>)
    %dma_wait3A_293 = arith.constant 384 : i32
    %dma_wait3A_294 = tpu.memref_slice %arg11[%dma_wait3A_293] : memref<512xi32, #tpu.memory_space<vmem>> -> memref<64xi32, #tpu.memory_space<vmem>>
    %dma_wait3A_295 = arith.constant 0 : i32
    %dma_wait3A_296 = arith.constant 0 : i32
    %dma_wait3A_297 = tpu.memref_slice %arg4[%dma_wait3A_295, %dma_wait3A_296] : memref<100000x128xf32, #tpu.memory_space<hbm>> -> memref<100000x128xf32, #tpu.memory_space<hbm>>
    tpu.wait_indirect_dma semaphore(%arg21 : memref<!tpu.dma_semaphore, #tpu.memory_space<semaphore_mem>>) src(%dma_wait3A_297 : memref<100000x128xf32, #tpu.memory_space<hbm>>) dst(%arg13 : memref<64x128xf32, #tpu.memory_space<vmem>>)
    %dma_wait3A_298 = arith.constant 384 : i32
    %dma_wait3A_299 = tpu.memref_slice %arg12[%dma_wait3A_298] : memref<512xi32, #tpu.memory_space<vmem>> -> memref<64xi32, #tpu.memory_space<vmem>>
    %dma_wait3A_300 = arith.constant 0 : i32
    %dma_wait3A_301 = arith.constant 0 : i32
    %dma_wait3A_302 = tpu.memref_slice %arg5[%dma_wait3A_300, %dma_wait3A_301] : memref<100000x128xf32, #tpu.memory_space<hbm>> -> memref<100000x128xf32, #tpu.memory_space<hbm>>
    tpu.wait_indirect_dma semaphore(%arg21 : memref<!tpu.dma_semaphore, #tpu.memory_space<semaphore_mem>>) src(%dma_wait3A_302 : memref<100000x128xf32, #tpu.memory_space<hbm>>) dst(%arg14 : memref<64x128xf32, #tpu.memory_space<vmem>>)
    %dma_wait3A_303 = arith.constant 384 : i32
    %dma_wait3A_304 = tpu.memref_slice %arg11[%dma_wait3A_303] : memref<512xi32, #tpu.memory_space<vmem>> -> memref<64xi32, #tpu.memory_space<vmem>>
    %dma_wait3A_305 = arith.constant 0 : i32
    %dma_wait3A_306 = arith.constant 0 : i32
    %dma_wait3A_307 = tpu.memref_slice %arg6[%dma_wait3A_305, %dma_wait3A_306] : memref<100000x128xf32, #tpu.memory_space<hbm>> -> memref<100000x128xf32, #tpu.memory_space<hbm>>
    tpu.wait_indirect_dma semaphore(%arg21 : memref<!tpu.dma_semaphore, #tpu.memory_space<semaphore_mem>>) src(%dma_wait3A_307 : memref<100000x128xf32, #tpu.memory_space<hbm>>) dst(%arg15 : memref<64x128xf32, #tpu.memory_space<vmem>>)
    %dma_wait3A_308 = arith.constant 384 : i32
    %dma_wait3A_309 = tpu.memref_slice %arg12[%dma_wait3A_308] : memref<512xi32, #tpu.memory_space<vmem>> -> memref<64xi32, #tpu.memory_space<vmem>>
    %dma_wait3A_310 = arith.constant 0 : i32
    %dma_wait3A_311 = arith.constant 0 : i32
    %dma_wait3A_312 = tpu.memref_slice %arg6[%dma_wait3A_310, %dma_wait3A_311] : memref<100000x128xf32, #tpu.memory_space<hbm>> -> memref<100000x128xf32, #tpu.memory_space<hbm>>
    tpu.wait_indirect_dma semaphore(%arg21 : memref<!tpu.dma_semaphore, #tpu.memory_space<semaphore_mem>>) src(%dma_wait3A_312 : memref<100000x128xf32, #tpu.memory_space<hbm>>) dst(%arg16 : memref<64x128xf32, #tpu.memory_space<vmem>>)
    %add3A_313 = arith.constant 384 : i32
    %add3A_314 = arith.addi %mul3A_2, %add3A_313 : i32
    "tpu.region"() ({
      %run_scoped3A = tpu.sem_alloc : memref<!tpu.dma_semaphore, #tpu.memory_space<semaphore_mem>>
      %dma_start3A_337 = arith.constant 0 : i32
      %dma_start3A_338 = tpu.memref_slice %arg7[%add3A_314, %dma_start3A_337] : memref<16384x128xf32, #tpu.memory_space<hbm>> -> memref<64x128xf32, #tpu.memory_space<hbm>>
      %dma_start3A_339 = arith.constant 0 : i32
      %dma_start3A_340 = tpu.memref_slice %arg7[%add3A_314, %dma_start3A_339] : memref<16384x128xf32, #tpu.memory_space<hbm>> -> memref<64x128xf32, #tpu.memory_space<hbm>>
      tpu.enqueue_dma source(%arg13 : memref<64x128xf32, #tpu.memory_space<vmem>>) target(%dma_start3A_340 : memref<64x128xf32, #tpu.memory_space<hbm>>) target_semaphore(%run_scoped3A : memref<!tpu.dma_semaphore, #tpu.memory_space<semaphore_mem>>)
      %dma_wait3A_341 = arith.constant 0 : i32
      %dma_wait3A_342 = tpu.memref_slice %arg7[%add3A_314, %dma_wait3A_341] : memref<16384x128xf32, #tpu.memory_space<hbm>> -> memref<64x128xf32, #tpu.memory_space<hbm>>
      %dma_wait3A_343 = arith.constant 0 : i32
      %dma_wait3A_344 = tpu.memref_slice %arg7[%add3A_314, %dma_wait3A_343] : memref<16384x128xf32, #tpu.memory_space<hbm>> -> memref<64x128xf32, #tpu.memory_space<hbm>>
      tpu.wait_dma2 semaphore(%run_scoped3A : memref<!tpu.dma_semaphore, #tpu.memory_space<semaphore_mem>>) src(%arg13 : memref<64x128xf32, #tpu.memory_space<vmem>>) dst(%dma_wait3A_344 : memref<64x128xf32, #tpu.memory_space<hbm>>)
      tpu.yield
    }) : () -> ()
    "tpu.region"() ({
      %run_scoped3A = tpu.sem_alloc : memref<!tpu.dma_semaphore, #tpu.memory_space<semaphore_mem>>
      %dma_start3A_337 = arith.constant 0 : i32
      %dma_start3A_338 = tpu.memref_slice %arg8[%add3A_314, %dma_start3A_337] : memref<16384x128xf32, #tpu.memory_space<hbm>> -> memref<64x128xf32, #tpu.memory_space<hbm>>
      %dma_start3A_339 = arith.constant 0 : i32
      %dma_start3A_340 = tpu.memref_slice %arg8[%add3A_314, %dma_start3A_339] : memref<16384x128xf32, #tpu.memory_space<hbm>> -> memref<64x128xf32, #tpu.memory_space<hbm>>
      tpu.enqueue_dma source(%arg14 : memref<64x128xf32, #tpu.memory_space<vmem>>) target(%dma_start3A_340 : memref<64x128xf32, #tpu.memory_space<hbm>>) target_semaphore(%run_scoped3A : memref<!tpu.dma_semaphore, #tpu.memory_space<semaphore_mem>>)
      %dma_wait3A_341 = arith.constant 0 : i32
      %dma_wait3A_342 = tpu.memref_slice %arg8[%add3A_314, %dma_wait3A_341] : memref<16384x128xf32, #tpu.memory_space<hbm>> -> memref<64x128xf32, #tpu.memory_space<hbm>>
      %dma_wait3A_343 = arith.constant 0 : i32
      %dma_wait3A_344 = tpu.memref_slice %arg8[%add3A_314, %dma_wait3A_343] : memref<16384x128xf32, #tpu.memory_space<hbm>> -> memref<64x128xf32, #tpu.memory_space<hbm>>
      tpu.wait_dma2 semaphore(%run_scoped3A : memref<!tpu.dma_semaphore, #tpu.memory_space<semaphore_mem>>) src(%arg14 : memref<64x128xf32, #tpu.memory_space<vmem>>) dst(%dma_wait3A_344 : memref<64x128xf32, #tpu.memory_space<hbm>>)
      tpu.yield
    }) : () -> ()
    "tpu.region"() ({
      %run_scoped3A = tpu.sem_alloc : memref<!tpu.dma_semaphore, #tpu.memory_space<semaphore_mem>>
      %dma_start3A_337 = arith.constant 0 : i32
      %dma_start3A_338 = tpu.memref_slice %arg9[%add3A_314, %dma_start3A_337] : memref<16384x128xf32, #tpu.memory_space<hbm>> -> memref<64x128xf32, #tpu.memory_space<hbm>>
      %dma_start3A_339 = arith.constant 0 : i32
      %dma_start3A_340 = tpu.memref_slice %arg9[%add3A_314, %dma_start3A_339] : memref<16384x128xf32, #tpu.memory_space<hbm>> -> memref<64x128xf32, #tpu.memory_space<hbm>>
      tpu.enqueue_dma source(%arg15 : memref<64x128xf32, #tpu.memory_space<vmem>>) target(%dma_start3A_340 : memref<64x128xf32, #tpu.memory_space<hbm>>) target_semaphore(%run_scoped3A : memref<!tpu.dma_semaphore, #tpu.memory_space<semaphore_mem>>)
      %dma_wait3A_341 = arith.constant 0 : i32
      %dma_wait3A_342 = tpu.memref_slice %arg9[%add3A_314, %dma_wait3A_341] : memref<16384x128xf32, #tpu.memory_space<hbm>> -> memref<64x128xf32, #tpu.memory_space<hbm>>
      %dma_wait3A_343 = arith.constant 0 : i32
      %dma_wait3A_344 = tpu.memref_slice %arg9[%add3A_314, %dma_wait3A_343] : memref<16384x128xf32, #tpu.memory_space<hbm>> -> memref<64x128xf32, #tpu.memory_space<hbm>>
      tpu.wait_dma2 semaphore(%run_scoped3A : memref<!tpu.dma_semaphore, #tpu.memory_space<semaphore_mem>>) src(%arg15 : memref<64x128xf32, #tpu.memory_space<vmem>>) dst(%dma_wait3A_344 : memref<64x128xf32, #tpu.memory_space<hbm>>)
      tpu.yield
    }) : () -> ()
    "tpu.region"() ({
      %run_scoped3A = tpu.sem_alloc : memref<!tpu.dma_semaphore, #tpu.memory_space<semaphore_mem>>
      %dma_start3A_337 = arith.constant 0 : i32
      %dma_start3A_338 = tpu.memref_slice %arg10[%add3A_314, %dma_start3A_337] : memref<16384x128xf32, #tpu.memory_space<hbm>> -> memref<64x128xf32, #tpu.memory_space<hbm>>
      %dma_start3A_339 = arith.constant 0 : i32
      %dma_start3A_340 = tpu.memref_slice %arg10[%add3A_314, %dma_start3A_339] : memref<16384x128xf32, #tpu.memory_space<hbm>> -> memref<64x128xf32, #tpu.memory_space<hbm>>
      tpu.enqueue_dma source(%arg16 : memref<64x128xf32, #tpu.memory_space<vmem>>) target(%dma_start3A_340 : memref<64x128xf32, #tpu.memory_space<hbm>>) target_semaphore(%run_scoped3A : memref<!tpu.dma_semaphore, #tpu.memory_space<semaphore_mem>>)
      %dma_wait3A_341 = arith.constant 0 : i32
      %dma_wait3A_342 = tpu.memref_slice %arg10[%add3A_314, %dma_wait3A_341] : memref<16384x128xf32, #tpu.memory_space<hbm>> -> memref<64x128xf32, #tpu.memory_space<hbm>>
      %dma_wait3A_343 = arith.constant 0 : i32
      %dma_wait3A_344 = tpu.memref_slice %arg10[%add3A_314, %dma_wait3A_343] : memref<16384x128xf32, #tpu.memory_space<hbm>> -> memref<64x128xf32, #tpu.memory_space<hbm>>
      tpu.wait_dma2 semaphore(%run_scoped3A : memref<!tpu.dma_semaphore, #tpu.memory_space<semaphore_mem>>) src(%arg16 : memref<64x128xf32, #tpu.memory_space<vmem>>) dst(%dma_wait3A_344 : memref<64x128xf32, #tpu.memory_space<hbm>>)
      tpu.yield
    }) : () -> ()
    %dma_wait3A_315 = arith.constant 448 : i32
    %dma_wait3A_316 = tpu.memref_slice %arg11[%dma_wait3A_315] : memref<512xi32, #tpu.memory_space<vmem>> -> memref<64xi32, #tpu.memory_space<vmem>>
    %dma_wait3A_317 = arith.constant 0 : i32
    %dma_wait3A_318 = arith.constant 0 : i32
    %dma_wait3A_319 = tpu.memref_slice %arg4[%dma_wait3A_317, %dma_wait3A_318] : memref<100000x128xf32, #tpu.memory_space<hbm>> -> memref<100000x128xf32, #tpu.memory_space<hbm>>
    tpu.wait_indirect_dma semaphore(%arg21 : memref<!tpu.dma_semaphore, #tpu.memory_space<semaphore_mem>>) src(%dma_wait3A_319 : memref<100000x128xf32, #tpu.memory_space<hbm>>) dst(%arg17 : memref<64x128xf32, #tpu.memory_space<vmem>>)
    %dma_wait3A_320 = arith.constant 448 : i32
    %dma_wait3A_321 = tpu.memref_slice %arg12[%dma_wait3A_320] : memref<512xi32, #tpu.memory_space<vmem>> -> memref<64xi32, #tpu.memory_space<vmem>>
    %dma_wait3A_322 = arith.constant 0 : i32
    %dma_wait3A_323 = arith.constant 0 : i32
    %dma_wait3A_324 = tpu.memref_slice %arg5[%dma_wait3A_322, %dma_wait3A_323] : memref<100000x128xf32, #tpu.memory_space<hbm>> -> memref<100000x128xf32, #tpu.memory_space<hbm>>
    tpu.wait_indirect_dma semaphore(%arg21 : memref<!tpu.dma_semaphore, #tpu.memory_space<semaphore_mem>>) src(%dma_wait3A_324 : memref<100000x128xf32, #tpu.memory_space<hbm>>) dst(%arg18 : memref<64x128xf32, #tpu.memory_space<vmem>>)
    %dma_wait3A_325 = arith.constant 448 : i32
    %dma_wait3A_326 = tpu.memref_slice %arg11[%dma_wait3A_325] : memref<512xi32, #tpu.memory_space<vmem>> -> memref<64xi32, #tpu.memory_space<vmem>>
    %dma_wait3A_327 = arith.constant 0 : i32
    %dma_wait3A_328 = arith.constant 0 : i32
    %dma_wait3A_329 = tpu.memref_slice %arg6[%dma_wait3A_327, %dma_wait3A_328] : memref<100000x128xf32, #tpu.memory_space<hbm>> -> memref<100000x128xf32, #tpu.memory_space<hbm>>
    tpu.wait_indirect_dma semaphore(%arg21 : memref<!tpu.dma_semaphore, #tpu.memory_space<semaphore_mem>>) src(%dma_wait3A_329 : memref<100000x128xf32, #tpu.memory_space<hbm>>) dst(%arg19 : memref<64x128xf32, #tpu.memory_space<vmem>>)
    %dma_wait3A_330 = arith.constant 448 : i32
    %dma_wait3A_331 = tpu.memref_slice %arg12[%dma_wait3A_330] : memref<512xi32, #tpu.memory_space<vmem>> -> memref<64xi32, #tpu.memory_space<vmem>>
    %dma_wait3A_332 = arith.constant 0 : i32
    %dma_wait3A_333 = arith.constant 0 : i32
    %dma_wait3A_334 = tpu.memref_slice %arg6[%dma_wait3A_332, %dma_wait3A_333] : memref<100000x128xf32, #tpu.memory_space<hbm>> -> memref<100000x128xf32, #tpu.memory_space<hbm>>
    tpu.wait_indirect_dma semaphore(%arg21 : memref<!tpu.dma_semaphore, #tpu.memory_space<semaphore_mem>>) src(%dma_wait3A_334 : memref<100000x128xf32, #tpu.memory_space<hbm>>) dst(%arg20 : memref<64x128xf32, #tpu.memory_space<vmem>>)
    %add3A_335 = arith.constant 448 : i32
    %add3A_336 = arith.addi %mul3A_2, %add3A_335 : i32
    "tpu.region"() ({
      %run_scoped3A = tpu.sem_alloc : memref<!tpu.dma_semaphore, #tpu.memory_space<semaphore_mem>>
      %dma_start3A_337 = arith.constant 0 : i32
      %dma_start3A_338 = tpu.memref_slice %arg7[%add3A_336, %dma_start3A_337] : memref<16384x128xf32, #tpu.memory_space<hbm>> -> memref<64x128xf32, #tpu.memory_space<hbm>>
      %dma_start3A_339 = arith.constant 0 : i32
      %dma_start3A_340 = tpu.memref_slice %arg7[%add3A_336, %dma_start3A_339] : memref<16384x128xf32, #tpu.memory_space<hbm>> -> memref<64x128xf32, #tpu.memory_space<hbm>>
      tpu.enqueue_dma source(%arg17 : memref<64x128xf32, #tpu.memory_space<vmem>>) target(%dma_start3A_340 : memref<64x128xf32, #tpu.memory_space<hbm>>) target_semaphore(%run_scoped3A : memref<!tpu.dma_semaphore, #tpu.memory_space<semaphore_mem>>)
      %dma_wait3A_341 = arith.constant 0 : i32
      %dma_wait3A_342 = tpu.memref_slice %arg7[%add3A_336, %dma_wait3A_341] : memref<16384x128xf32, #tpu.memory_space<hbm>> -> memref<64x128xf32, #tpu.memory_space<hbm>>
      %dma_wait3A_343 = arith.constant 0 : i32
      %dma_wait3A_344 = tpu.memref_slice %arg7[%add3A_336, %dma_wait3A_343] : memref<16384x128xf32, #tpu.memory_space<hbm>> -> memref<64x128xf32, #tpu.memory_space<hbm>>
      tpu.wait_dma2 semaphore(%run_scoped3A : memref<!tpu.dma_semaphore, #tpu.memory_space<semaphore_mem>>) src(%arg17 : memref<64x128xf32, #tpu.memory_space<vmem>>) dst(%dma_wait3A_344 : memref<64x128xf32, #tpu.memory_space<hbm>>)
      tpu.yield
    }) : () -> ()
    "tpu.region"() ({
      %run_scoped3A = tpu.sem_alloc : memref<!tpu.dma_semaphore, #tpu.memory_space<semaphore_mem>>
      %dma_start3A_337 = arith.constant 0 : i32
      %dma_start3A_338 = tpu.memref_slice %arg8[%add3A_336, %dma_start3A_337] : memref<16384x128xf32, #tpu.memory_space<hbm>> -> memref<64x128xf32, #tpu.memory_space<hbm>>
      %dma_start3A_339 = arith.constant 0 : i32
      %dma_start3A_340 = tpu.memref_slice %arg8[%add3A_336, %dma_start3A_339] : memref<16384x128xf32, #tpu.memory_space<hbm>> -> memref<64x128xf32, #tpu.memory_space<hbm>>
      tpu.enqueue_dma source(%arg18 : memref<64x128xf32, #tpu.memory_space<vmem>>) target(%dma_start3A_340 : memref<64x128xf32, #tpu.memory_space<hbm>>) target_semaphore(%run_scoped3A : memref<!tpu.dma_semaphore, #tpu.memory_space<semaphore_mem>>)
      %dma_wait3A_341 = arith.constant 0 : i32
      %dma_wait3A_342 = tpu.memref_slice %arg8[%add3A_336, %dma_wait3A_341] : memref<16384x128xf32, #tpu.memory_space<hbm>> -> memref<64x128xf32, #tpu.memory_space<hbm>>
      %dma_wait3A_343 = arith.constant 0 : i32
      %dma_wait3A_344 = tpu.memref_slice %arg8[%add3A_336, %dma_wait3A_343] : memref<16384x128xf32, #tpu.memory_space<hbm>> -> memref<64x128xf32, #tpu.memory_space<hbm>>
      tpu.wait_dma2 semaphore(%run_scoped3A : memref<!tpu.dma_semaphore, #tpu.memory_space<semaphore_mem>>) src(%arg18 : memref<64x128xf32, #tpu.memory_space<vmem>>) dst(%dma_wait3A_344 : memref<64x128xf32, #tpu.memory_space<hbm>>)
      tpu.yield
    }) : () -> ()
    "tpu.region"() ({
      %run_scoped3A = tpu.sem_alloc : memref<!tpu.dma_semaphore, #tpu.memory_space<semaphore_mem>>
      %dma_start3A_337 = arith.constant 0 : i32
      %dma_start3A_338 = tpu.memref_slice %arg9[%add3A_336, %dma_start3A_337] : memref<16384x128xf32, #tpu.memory_space<hbm>> -> memref<64x128xf32, #tpu.memory_space<hbm>>
      %dma_start3A_339 = arith.constant 0 : i32
      %dma_start3A_340 = tpu.memref_slice %arg9[%add3A_336, %dma_start3A_339] : memref<16384x128xf32, #tpu.memory_space<hbm>> -> memref<64x128xf32, #tpu.memory_space<hbm>>
      tpu.enqueue_dma source(%arg19 : memref<64x128xf32, #tpu.memory_space<vmem>>) target(%dma_start3A_340 : memref<64x128xf32, #tpu.memory_space<hbm>>) target_semaphore(%run_scoped3A : memref<!tpu.dma_semaphore, #tpu.memory_space<semaphore_mem>>)
      %dma_wait3A_341 = arith.constant 0 : i32
      %dma_wait3A_342 = tpu.memref_slice %arg9[%add3A_336, %dma_wait3A_341] : memref<16384x128xf32, #tpu.memory_space<hbm>> -> memref<64x128xf32, #tpu.memory_space<hbm>>
      %dma_wait3A_343 = arith.constant 0 : i32
      %dma_wait3A_344 = tpu.memref_slice %arg9[%add3A_336, %dma_wait3A_343] : memref<16384x128xf32, #tpu.memory_space<hbm>> -> memref<64x128xf32, #tpu.memory_space<hbm>>
      tpu.wait_dma2 semaphore(%run_scoped3A : memref<!tpu.dma_semaphore, #tpu.memory_space<semaphore_mem>>) src(%arg19 : memref<64x128xf32, #tpu.memory_space<vmem>>) dst(%dma_wait3A_344 : memref<64x128xf32, #tpu.memory_space<hbm>>)
      tpu.yield
    }) : () -> ()
    "tpu.region"() ({
      %run_scoped3A = tpu.sem_alloc : memref<!tpu.dma_semaphore, #tpu.memory_space<semaphore_mem>>
      %dma_start3A_337 = arith.constant 0 : i32
      %dma_start3A_338 = tpu.memref_slice %arg10[%add3A_336, %dma_start3A_337] : memref<16384x128xf32, #tpu.memory_space<hbm>> -> memref<64x128xf32, #tpu.memory_space<hbm>>
      %dma_start3A_339 = arith.constant 0 : i32
      %dma_start3A_340 = tpu.memref_slice %arg10[%add3A_336, %dma_start3A_339] : memref<16384x128xf32, #tpu.memory_space<hbm>> -> memref<64x128xf32, #tpu.memory_space<hbm>>
      tpu.enqueue_dma source(%arg20 : memref<64x128xf32, #tpu.memory_space<vmem>>) target(%dma_start3A_340 : memref<64x128xf32, #tpu.memory_space<hbm>>) target_semaphore(%run_scoped3A : memref<!tpu.dma_semaphore, #tpu.memory_space<semaphore_mem>>)
      %dma_wait3A_341 = arith.constant 0 : i32
      %dma_wait3A_342 = tpu.memref_slice %arg10[%add3A_336, %dma_wait3A_341] : memref<16384x128xf32, #tpu.memory_space<hbm>> -> memref<64x128xf32, #tpu.memory_space<hbm>>
      %dma_wait3A_343 = arith.constant 0 : i32
      %dma_wait3A_344 = tpu.memref_slice %arg10[%add3A_336, %dma_wait3A_343] : memref<16384x128xf32, #tpu.memory_space<hbm>> -> memref<64x128xf32, #tpu.memory_space<hbm>>
      tpu.wait_dma2 semaphore(%run_scoped3A : memref<!tpu.dma_semaphore, #tpu.memory_space<semaphore_mem>>) src(%arg20 : memref<64x128xf32, #tpu.memory_space<vmem>>) dst(%dma_wait3A_344 : memref<64x128xf32, #tpu.memory_space<hbm>>)
      tpu.yield
    }) : () -> ()
    return
  }
}

module attributes {stable_mosaic.version = 14 : i64} {
  func.func @_mlp_body(%arg0: i32, %arg1: memref<1024x128xf32, #tpu.memory_space<vmem>>, %arg2: memref<1024x128xf32, #tpu.memory_space<vmem>>, %arg3: memref<1024x128xf32, #tpu.memory_space<vmem>>, %arg4: memref<1024x128xf32, #tpu.memory_space<vmem>>, %arg5: memref<256x256xf32, #tpu.memory_space<vmem>>, %arg6: memref<1x256xf32, #tpu.memory_space<vmem>>, %arg7: memref<256x128xf32, #tpu.memory_space<vmem>>, %arg8: memref<1x128xf32, #tpu.memory_space<vmem>>, %arg9: memref<128x64xf32, #tpu.memory_space<vmem>>, %arg10: memref<1x64xf32, #tpu.memory_space<vmem>>, %arg11: memref<128x1xf32, #tpu.memory_space<vmem>>, %arg12: memref<1x1xf32, #tpu.memory_space<vmem>>, %arg13: memref<1024x1xf32, #tpu.memory_space<vmem>>) attributes {dimension_semantics = [#tpu.dimension_semantics<arbitrary>], iteration_bounds = array<i64: 16>, scalar_prefetch = 0 : i64, scratch_operands = 0 : i64, tpu.core_type = #tpu.core_type<tc>, window_params = [{transform_indices = @transform_0, window_bounds = array<i64: 1024, 128>}, {transform_indices = @transform_1, window_bounds = array<i64: 1024, 128>}, {transform_indices = @transform_2, window_bounds = array<i64: 1024, 128>}, {transform_indices = @transform_3, window_bounds = array<i64: 1024, 128>}, {pipeline_mode = #tpu.pipeline_mode<synchronous>, transform_indices = @transform_4, window_bounds = array<i64: 256, 256>}, {pipeline_mode = #tpu.pipeline_mode<synchronous>, transform_indices = @transform_5, window_bounds = array<i64: 1, 256>}, {pipeline_mode = #tpu.pipeline_mode<synchronous>, transform_indices = @transform_6, window_bounds = array<i64: 256, 128>}, {pipeline_mode = #tpu.pipeline_mode<synchronous>, transform_indices = @transform_7, window_bounds = array<i64: 1, 128>}, {pipeline_mode = #tpu.pipeline_mode<synchronous>, transform_indices = @transform_8, window_bounds = array<i64: 128, 64>}, {pipeline_mode = #tpu.pipeline_mode<synchronous>, transform_indices = @transform_9, window_bounds = array<i64: 1, 64>}, {pipeline_mode = #tpu.pipeline_mode<synchronous>, transform_indices = @transform_10, window_bounds = array<i64: 128, 1>}, {pipeline_mode = #tpu.pipeline_mode<synchronous>, transform_indices = @transform_11, window_bounds = array<i64: 1, 1>}, {transform_indices = @transform_12, window_bounds = array<i64: 1024, 1>}]} {
    %get3A = arith.constant 0 : index
    %get3A_0 = arith.constant 0 : index
    %get3A_1 = vector.load %arg5[%get3A, %get3A_0] : memref<256x256xf32, #tpu.memory_space<vmem>>, vector<256x256xf32>
    %get3A_2 = arith.constant 0 : index
    %get3A_3 = arith.constant 0 : index
    %get3A_4 = vector.load %arg1[%get3A_2, %get3A_3] : memref<1024x128xf32, #tpu.memory_space<vmem>>, vector<1024x128xf32>
    %slice3A = vector.extract_strided_slice %get3A_1 {offsets = [0, 0], sizes = [128, 256], strides = [1, 1]} : vector<256x256xf32> to vector<128x256xf32>
    %dot_general3A = arith.constant dense<0.000000e+00> : vector<1024x256xf32>
    %dot_general3A_5 = tpu.matmul %get3A_4, %slice3A, %dot_general3A {dimension_numbers = #tpu.dot_dimension_numbers<[1], [0], [0], [1], [0, 0, 1, 1], [], []>, transpose_lhs_hint = false} : vector<1024x128xf32>, vector<128x256xf32>, vector<1024x256xf32> -> vector<1024x256xf32>
    %get3A_6 = arith.constant 0 : index
    %get3A_7 = arith.constant 0 : index
    %get3A_8 = vector.load %arg2[%get3A_6, %get3A_7] : memref<1024x128xf32, #tpu.memory_space<vmem>>, vector<1024x128xf32>
    %slice3A_9 = vector.extract_strided_slice %get3A_1 {offsets = [128, 0], sizes = [128, 256], strides = [1, 1]} : vector<256x256xf32> to vector<128x256xf32>
    %dot_general3A_10 = arith.constant dense<0.000000e+00> : vector<1024x256xf32>
    %dot_general3A_11 = tpu.matmul %get3A_8, %slice3A_9, %dot_general3A_10 {dimension_numbers = #tpu.dot_dimension_numbers<[1], [0], [0], [1], [0, 0, 1, 1], [], []>, transpose_lhs_hint = false} : vector<1024x128xf32>, vector<128x256xf32>, vector<1024x256xf32> -> vector<1024x256xf32>
    %add3A = arith.addf %dot_general3A_5, %dot_general3A_11 : vector<1024x256xf32>
    %get3A_12 = arith.constant 0 : index
    %get3A_13 = arith.constant 0 : index
    %get3A_14 = vector.load %arg6[%get3A_12, %get3A_13] : memref<1x256xf32, #tpu.memory_space<vmem>>, vector<1x256xf32>
    %add3A_15 = vector.broadcast %get3A_14 : vector<1x256xf32> to vector<1024x256xf32>
    %add3A_16 = arith.addf %add3A, %add3A_15 : vector<1024x256xf32>
    %max3A = arith.constant 0.000000e+00 : f32
    %max3A_17 = vector.broadcast %max3A : f32 to vector<1024x256xf32>
    %max3A_18 = arith.maximumf %add3A_16, %max3A_17 : vector<1024x256xf32>
    %get3A_19 = arith.constant 0 : index
    %get3A_20 = arith.constant 0 : index
    %get3A_21 = vector.load %arg7[%get3A_19, %get3A_20] : memref<256x128xf32, #tpu.memory_space<vmem>>, vector<256x128xf32>
    %dot_general3A_22 = arith.constant dense<0.000000e+00> : vector<1024x128xf32>
    %dot_general3A_23 = tpu.matmul %max3A_18, %get3A_21, %dot_general3A_22 {dimension_numbers = #tpu.dot_dimension_numbers<[1], [0], [0], [1], [0, 0, 1, 1], [], []>, transpose_lhs_hint = false} : vector<1024x256xf32>, vector<256x128xf32>, vector<1024x128xf32> -> vector<1024x128xf32>
    %get3A_24 = arith.constant 0 : index
    %get3A_25 = arith.constant 0 : index
    %get3A_26 = vector.load %arg8[%get3A_24, %get3A_25] : memref<1x128xf32, #tpu.memory_space<vmem>>, vector<1x128xf32>
    %add3A_27 = vector.broadcast %get3A_26 : vector<1x128xf32> to vector<1024x128xf32>
    %add3A_28 = arith.addf %dot_general3A_23, %add3A_27 : vector<1024x128xf32>
    %max3A_29 = arith.constant 0.000000e+00 : f32
    %max3A_30 = vector.broadcast %max3A_29 : f32 to vector<1024x128xf32>
    %max3A_31 = arith.maximumf %add3A_28, %max3A_30 : vector<1024x128xf32>
    %get3A_32 = arith.constant 0 : index
    %get3A_33 = arith.constant 0 : index
    %get3A_34 = vector.load %arg9[%get3A_32, %get3A_33] : memref<128x64xf32, #tpu.memory_space<vmem>>, vector<128x64xf32>
    %dot_general3A_35 = arith.constant dense<0.000000e+00> : vector<1024x64xf32>
    %dot_general3A_36 = tpu.matmul %max3A_31, %get3A_34, %dot_general3A_35 {dimension_numbers = #tpu.dot_dimension_numbers<[1], [0], [0], [1], [0, 0, 1, 1], [], []>, transpose_lhs_hint = false} : vector<1024x128xf32>, vector<128x64xf32>, vector<1024x64xf32> -> vector<1024x64xf32>
    %get3A_37 = arith.constant 0 : index
    %get3A_38 = arith.constant 0 : index
    %get3A_39 = vector.load %arg10[%get3A_37, %get3A_38] : memref<1x64xf32, #tpu.memory_space<vmem>>, vector<1x64xf32>
    %add3A_40 = vector.broadcast %get3A_39 : vector<1x64xf32> to vector<1024x64xf32>
    %add3A_41 = arith.addf %dot_general3A_36, %add3A_40 : vector<1024x64xf32>
    %max3A_42 = arith.constant 0.000000e+00 : f32
    %max3A_43 = vector.broadcast %max3A_42 : f32 to vector<1024x64xf32>
    %max3A_44 = arith.maximumf %add3A_41, %max3A_43 : vector<1024x64xf32>
    %get3A_45 = arith.constant 0 : index
    %get3A_46 = arith.constant 0 : index
    %get3A_47 = vector.load %arg3[%get3A_45, %get3A_46] : memref<1024x128xf32, #tpu.memory_space<vmem>>, vector<1024x64xf32>
    %get3A_48 = arith.constant 0 : index
    %get3A_49 = arith.constant 64 : index
    %get3A_50 = vector.load %arg4[%get3A_48, %get3A_49] : memref<1024x128xf32, #tpu.memory_space<vmem>>, vector<1024x64xf32>
    %mul3A = arith.mulf %get3A_47, %get3A_50 : vector<1024x64xf32>
    %get3A_51 = arith.constant 0 : index
    %get3A_52 = arith.constant 0 : index
    %get3A_53 = vector.load %arg11[%get3A_51, %get3A_52] : memref<128x1xf32, #tpu.memory_space<vmem>>, vector<128x1xf32>
    %slice3A_54 = vector.extract_strided_slice %get3A_53 {offsets = [0, 0], sizes = [64, 1], strides = [1, 1]} : vector<128x1xf32> to vector<64x1xf32>
    %dot_general3A_55 = arith.constant dense<0.000000e+00> : vector<1024x1xf32>
    %dot_general3A_56 = tpu.matmul %max3A_44, %slice3A_54, %dot_general3A_55 {dimension_numbers = #tpu.dot_dimension_numbers<[1], [0], [0], [1], [0, 0, 1, 1], [], []>, transpose_lhs_hint = false} : vector<1024x64xf32>, vector<64x1xf32>, vector<1024x1xf32> -> vector<1024x1xf32>
    %slice3A_57 = vector.extract_strided_slice %get3A_53 {offsets = [64, 0], sizes = [64, 1], strides = [1, 1]} : vector<128x1xf32> to vector<64x1xf32>
    %dot_general3A_58 = arith.constant dense<0.000000e+00> : vector<1024x1xf32>
    %dot_general3A_59 = tpu.matmul %mul3A, %slice3A_57, %dot_general3A_58 {dimension_numbers = #tpu.dot_dimension_numbers<[1], [0], [0], [1], [0, 0, 1, 1], [], []>, transpose_lhs_hint = false} : vector<1024x64xf32>, vector<64x1xf32>, vector<1024x1xf32> -> vector<1024x1xf32>
    %add3A_60 = arith.addf %dot_general3A_56, %dot_general3A_59 : vector<1024x1xf32>
    %get3A_61 = arith.constant 0 : index
    %get3A_62 = arith.constant 0 : index
    %get3A_63 = vector.load %arg12[%get3A_61, %get3A_62] : memref<1x1xf32, #tpu.memory_space<vmem>>, vector<1x1xf32>
    %get3A_64 = vector.extract %get3A_63[0, 0] : f32 from vector<1x1xf32>
    %add3A_65 = vector.broadcast %get3A_64 : f32 to vector<1024x1xf32>
    %add3A_66 = arith.addf %add3A_60, %add3A_65 : vector<1024x1xf32>
    %logistic3A = arith.negf %add3A_66 : vector<1024x1xf32>
    %logistic3A_67 = math.exp %logistic3A : vector<1024x1xf32>
    %logistic3A_68 = arith.constant 1.000000e+00 : f32
    %logistic3A_69 = vector.broadcast %logistic3A_68 : f32 to vector<1024x1xf32>
    %logistic3A_70 = arith.addf %logistic3A_69, %logistic3A_67 : vector<1024x1xf32>
    %logistic3A_71 = arith.divf %logistic3A_69, %logistic3A_70 : vector<1024x1xf32>
    %swap3A = arith.constant 0 : index
    %swap3A_72 = arith.constant 0 : index
    %swap3A_73 = vector.load %arg13[%swap3A, %swap3A_72] : memref<1024x1xf32, #tpu.memory_space<vmem>>, vector<1024x1xf32>
    tpu.vector_store %arg13[%swap3A, %swap3A_72], %logistic3A_71 {strides = array<i32>} : memref<1024x1xf32, #tpu.memory_space<vmem>>, vector<1024x1xf32>,
    return
  }
  func.func @transform_0(%arg0: i32) -> (i32, i32) {
    %c0_i32 = arith.constant 0 : i32
    %c0_i32_0 = arith.constant 0 : i32
    return %arg0, %c0_i32 : i32, i32
  }
  func.func @transform_1(%arg0: i32) -> (i32, i32) {
    %c0_i32 = arith.constant 0 : i32
    %c0_i32_0 = arith.constant 0 : i32
    return %arg0, %c0_i32 : i32, i32
  }
  func.func @transform_2(%arg0: i32) -> (i32, i32) {
    %c0_i32 = arith.constant 0 : i32
    %c0_i32_0 = arith.constant 0 : i32
    return %arg0, %c0_i32 : i32, i32
  }
  func.func @transform_3(%arg0: i32) -> (i32, i32) {
    %c0_i32 = arith.constant 0 : i32
    %c0_i32_0 = arith.constant 0 : i32
    return %arg0, %c0_i32 : i32, i32
  }
  func.func @transform_4(%arg0: i32) -> (i32, i32) {
    %c0_i32 = arith.constant 0 : i32
    %c0_i32_0 = arith.constant 0 : i32
    %c0_i32_1 = arith.constant 0 : i32
    return %c0_i32, %c0_i32_0 : i32, i32
  }
  func.func @transform_5(%arg0: i32) -> (i32, i32) {
    %c0_i32 = arith.constant 0 : i32
    %c0_i32_0 = arith.constant 0 : i32
    %c0_i32_1 = arith.constant 0 : i32
    return %c0_i32, %c0_i32_0 : i32, i32
  }
  func.func @transform_6(%arg0: i32) -> (i32, i32) {
    %c0_i32 = arith.constant 0 : i32
    %c0_i32_0 = arith.constant 0 : i32
    %c0_i32_1 = arith.constant 0 : i32
    return %c0_i32, %c0_i32_0 : i32, i32
  }
  func.func @transform_7(%arg0: i32) -> (i32, i32) {
    %c0_i32 = arith.constant 0 : i32
    %c0_i32_0 = arith.constant 0 : i32
    %c0_i32_1 = arith.constant 0 : i32
    return %c0_i32, %c0_i32_0 : i32, i32
  }
  func.func @transform_8(%arg0: i32) -> (i32, i32) {
    %c0_i32 = arith.constant 0 : i32
    %c0_i32_0 = arith.constant 0 : i32
    %c0_i32_1 = arith.constant 0 : i32
    return %c0_i32, %c0_i32_0 : i32, i32
  }
  func.func @transform_9(%arg0: i32) -> (i32, i32) {
    %c0_i32 = arith.constant 0 : i32
    %c0_i32_0 = arith.constant 0 : i32
    %c0_i32_1 = arith.constant 0 : i32
    return %c0_i32, %c0_i32_0 : i32, i32
  }
  func.func @transform_10(%arg0: i32) -> (i32, i32) {
    %c0_i32 = arith.constant 0 : i32
    %c0_i32_0 = arith.constant 0 : i32
    %c0_i32_1 = arith.constant 0 : i32
    return %c0_i32, %c0_i32_0 : i32, i32
  }
  func.func @transform_11(%arg0: i32) -> (i32, i32) {
    %c0_i32 = arith.constant 0 : i32
    %c0_i32_0 = arith.constant 0 : i32
    %c0_i32_1 = arith.constant 0 : i32
    return %c0_i32, %c0_i32_0 : i32, i32
  }
  func.func @transform_12(%arg0: i32) -> (i32, i32) {
    %c0_i32 = arith.constant 0 : i32
    %c0_i32_0 = arith.constant 0 : i32
    return %arg0, %c0_i32 : i32, i32
  }
}

</mosaic_0001>

<sc_bundles>
// kernel: kernel.4.cloned.1.call-start
scs
__scs_entry_jumppad:
0x0: {  	(pc) =	sbr.rel $0x88, $3  }
0x1: {  	(tag) =	ssettag $0x0;
	lr =	simm.s32 $0x1  }
0x2: {  	[smem:$0x3F93] =	sst lr;
	_ =	strace $0xD0000000  }
0x3: {  	_ = 	snop  }
0x4: {  	_ = 	snop  }
0x5: {  	_ = 	snop  }
0x6: {  	_ = 	snop  }
0x7: {  	_ = 	snop  }
__scs_overlays_trampoline_lowered:
0x8: {  	[smem:$0x3FA2] =	sst s0  }
0x9: {  	[smem:$0x3FA3] =	sst s1  }
0xa: {  	[smem:$0x3FA4] =	sst s2  }
0xb: {  	[smem:$0x3FA5] =	sst s3  }
0xc: {  	[smem:$0x3FA6] =	sst s4  }
0xd: {  	[smem:$0x3FA7] =	sst s5  }
0xe: {  	[smem:$0x3FA8] =	sst s6  }
0xf: {  	[smem:$0x3FA9] =	sst s7  }
0x10: {  	[smem:$0x3FAA] =	sst s8  }
0x11: {  	[smem:$0x3FAB] =	sst s9;
	s0 =	simm.s32 @!p0 $0x0  }
0x12: {  	s1 =	sld [smem:$0x3F91];
	s0 =	simm.s32 @p0 $0x1  }
0x13: {  	[smem:$0x3FAC] =	sst s0;
	s0 =	simm.s32 @!p1 $0x0  }
0x14: {  	s2 =	sld [smem:$0x3F90];
	s0 =	simm.s32 @p1 $0x1  }
0x15: {  	[smem:$0x3FAD] =	sst s0;
	s0 =	simm.s32 @!p2 $0x0  }
0x16: {  	s3 =	sld [smem:$0x3FDB];
	s0 =	simm.s32 @p2 $0x1  }
0x17: {  	s4 =	simm.s32 $0x1BF5;
	[smem:$0x3FAF] =	sst s0  }
0x18: {  	s0 =	sld [smem:$0x3F92];
	_ =	swait.ge [sflag:s4], $0x0  }
0x19: {  	s7 =	sld [smem:$0x3F93]  }
0x1a: {  	s8 =	sadd.s32 $0xFFFFE003, lr  }
0x1b: {  	s9 =	sadd.s32 $0xFFFFFEF7, lr;
	s5 =	simm.s32 $0xFFFFFFFF;
	p2 =	slt.u32 s8, $0xFFFFF086  }
0x1c: {  	p1 =	slt.u32 s9, $0xF7A;
	s5 =	simm.s32 @!p2 $0x0  }
0x1d: {  	s5 =	simm.s32 @p1 $0x1;
	p0 =	seq.s32 s7, s2  }
0x1e: {  	s7 =	smul.u32 @!p0 $0xF7A, s2;
	p2 =	seq.s32 @!p0 s5, $0x0  }
0x1f: {  	s9 =	smul.u32 $0xF7A, s1;
	s8 =	simm.s32 @!p0 $0x1BF5;
	p2 =	por !p2, p0  }
0x20: {  	[sflag:s8] =	ssyncset.s32 @!p0 $0xFFFFF086;
	s6 =	sadd.s32 @!p0 s3, s7;
	s7 =	simm.s32 @!p0 $0x108  }
0x21: {  	s3 =	sadd.s32 s3, s9;
	s6 =	sadd.s32 @!p0 $0x88, s6;
	s7 =	simm.s32 @p2 $0x1082  }
0x22: {  	[simem:s7], [sflag:s8] =	dma.local @!p0 [hbm:s6], $0xF7A  }
0x23: {  	s9 =	sor.u32 $0xD0000000, s2;
	s6 =	simm.s32 $0x108;
	_ =	swait.ge @!p0 [sflag:s8], $0x0  }
0x24: {  	s3 =	sadd.s32 $0x88, s3;
	s6 =	simm.s32 @!p1 $0x1082;
	[sflag:s4] =	ssyncset.s32 $0xFFFFF086  }
0x25: {  	[simem:s6], [sflag:s4] =	dma.local [hbm:s3], $0xF7A  }
0x26: {  	[smem:$0x3F93] =	sst s1;
	(tag) =	ssettag s2;
	_ =	strace s9  }
0x27: {  	s1 =	sld [smem:$0x3FA3]  }
0x28: {  	s2 =	sld [smem:$0x3FA4]  }
0x29: {  	s4 =	sld [smem:$0x3FA6]  }
0x2a: {  	p0 =	seq.s32 s5, $0x0;
	s5 =	sld [smem:$0x3FA7]  }
0x2b: {  	s6 =	sld [smem:$0x3FA8]  }
0x2c: {  	s7 =	sld [smem:$0x3FA9]  }
0x2d: {  	s3 =	simm.s32 $0x108;
	s8 =	sld [smem:$0x3FAA]  }
0x2e: {  	s3 =	simm.s32 @!p0 $0x1082;
	s9 =	sld [smem:$0x3FAB]  }
0x2f: {  	lr =	sadd.s32 s0, s3;
	s0 =	sld [smem:$0x3FA2]  }
0x30: {  	s3 =	sld [smem:$0x3FA5]  }
0x31: {  	[smem:$0x3FAE] =	sst s10  }
0x32: {  	s10 =	sld [smem:$0x3FAC];
	_ =	sdelay $0x3  }
0x33: {  	p0 =	seq.s32 s10, $0x1;
	s10 =	sld [smem:$0x3FAE];
	_ =	sdelay $0x3  }
0x34: {  	[smem:$0x3FAE] =	sst s10  }
0x35: {  	s10 =	sld [smem:$0x3FAD];
	_ =	sdelay $0x3  }
0x36: {  	p1 =	seq.s32 s10, $0x1;
	s10 =	sld [smem:$0x3FAE];
	_ =	sdelay $0x3  }
0x37: {  	[smem:$0x3FAE] =	sst s10  }
0x38: {  	s10 =	sld [smem:$0x3FAF]  }
0x39: {  	_ = 	snop;
	(pc) =	sbr.ind lr, $3  }
0x3a: {  	_ = 	snop  }
0x3b: {  	_ = 	snop  }
0x3c: {  	p2 =	seq.s32 s10, $0x1;
	s10 =	sld [smem:$0x3FAE]  }
0x3d: {  	_ =	shalt  }
0x3e: {  	_ =	shalt  }
0x3f: {  	_ =	shalt  }
0x40: {  	_ =	shalt  }
0x41: {  	_ =	shalt  }
0x42: {  	_ =	shalt  }
0x43: {  	_ =	shalt  }
0x44: {  	_ =	shalt  }
0x45: {  	_ =	shalt  }
0x46: {  	_ =	shalt  }
0x47: {  	_ =	shalt  }
0x48: {  	_ =	shalt  }
0x49: {  	_ =	shalt  }
0x4a: {  	_ =	shalt  }
0x4b: {  	_ =	shalt  }
0x4c: {  	_ =	shalt  }
0x4d: {  	_ =	shalt  }
0x4e: {  	_ =	shalt  }
0x4f: {  	_ =	shalt  }
0x50: {  	_ =	shalt  }
0x51: {  	_ =	shalt  }
0x52: {  	_ =	shalt  }
0x53: {  	_ =	shalt  }
0x54: {  	_ =	shalt  }
0x55: {  	_ =	shalt  }
0x56: {  	_ =	shalt  }
0x57: {  	_ =	shalt  }
0x58: {  	_ =	shalt  }
0x59: {  	_ =	shalt  }
0x5a: {  	_ =	shalt  }
0x5b: {  	_ =	shalt  }
0x5c: {  	_ =	shalt  }
0x5d: {  	_ =	shalt  }
0x5e: {  	_ =	shalt  }
0x5f: {  	_ =	shalt  }
0x60: {  	_ =	shalt  }
0x61: {  	_ =	shalt  }
0x62: {  	_ =	shalt  }
0x63: {  	_ =	shalt  }
0x64: {  	_ =	shalt  }
0x65: {  	_ =	shalt  }
0x66: {  	_ =	shalt  }
0x67: {  	_ =	shalt  }
0x68: {  	_ =	shalt  }
0x69: {  	_ =	shalt  }
0x6a: {  	_ =	shalt  }
0x6b: {  	_ =	shalt  }
0x6c: {  	_ =	shalt  }
0x6d: {  	_ =	shalt  }
0x6e: {  	_ =	shalt  }
0x6f: {  	_ =	shalt  }
0x70: {  	_ =	shalt  }
0x71: {  	_ =	shalt  }
0x72: {  	_ =	shalt  }
0x73: {  	_ =	shalt  }
0x74: {  	_ =	shalt  }
0x75: {  	_ =	shalt  }
0x76: {  	_ =	shalt  }
0x77: {  	_ =	shalt  }
0x78: {  	_ =	shalt  }
0x79: {  	_ =	shalt  }
0x7a: {  	_ =	shalt  }
0x7b: {  	_ =	shalt  }
0x7c: {  	_ =	shalt  }
0x7d: {  	_ =	shalt  }
0x7e: {  	_ =	shalt  }
0x7f: {  	_ =	shalt  }
0x80: {  	_ =	shalt  }
0x81: {  	_ =	shalt  }
0x82: {  	_ =	shalt  }
0x83: {  	_ =	shalt  }
0x84: {  	_ =	shalt  }
0x85: {  	_ =	shalt  }
0x86: {  	_ =	shalt  }
0x87: {  	_ =	shalt  }
.Lfunc_end0:
.L_simem_size_0:
called_computation_lowered:
.L_overlay_start_0:
0x88: {  	s2 =	sld [smem:$0x3FD9]  }
0x89: {  	s3 =	sld [smem:$0x3FFE];
	_ =	sdelay $0x1  }
0x8a: {  	s1 =	srdreg.scid  }
0x8b: {  	s0 =	sand.u32 $0x1, s1  }
0x8c: {  	s17 =	sshll.u32 s0, $0xA;
	s2 =	sadd.s32 s3, s2  }
0x8d: {  	s2 =	sadd.s32 s2, s17  }
0x8e: {  	[smem:$0x3FBA] =	sst s2  }
0x8f: {  	_ = 	snop  }
0x90: {  	s2 =	sld [smem:$0x3FC9]  }
0x91: {  	s18 =	sld [smem:$0x3FC8]  }
0x92: {  	s4 =	sld [smem:$0x3FC7]  }
0x93: {  	s5 =	sld [smem:$0x3FC6];
	(tm) =	ssettm $0x1  }
0x94: {  	s6 =	sld [smem:$0x3FFB];
	_ =	sdelay $0x3  }
0x95: {  	_ =	strace s6  }
0x96: {  	s6 =	sld [smem:$0x3FFC];
	_ =	sdelay $0x3  }
0x97: {  	_ =	strace s6  }
0x98: {  	s6 =	sld [smem:$0x3FFD];
	_ =	sdelay $0x3  }
0x99: {  	_ =	strace s6  }
0x9a: {  	_ =	strace $0x8FFFFFFF  }
0x9b: {  	s19 =	sld [smem:$0x3FDB];
	_ =	sdelay $0x1  }
0x9c: {  	s7 =	simm.s32 $_scs_section_size  }
0x9d: {  	s8 =	simm.s32 $_size__tile_overlayer_lowered;
	s9 =	simm.s32 $_tile_overlayer_lowered  }
0x9e: {  	s22 =	simm.s32 $0x1BFF;
	s21 =	sshll.u32 s9, $0x1;
	s6 =	sadd.s32 s7, s19  }
0x9f: {  	s10 =	simm.s32 $0x0;
	s20 =	sshll.u32 s8, $0x1;
	s8 =	sadd.s32 s21, s6  }
0xa0: {  	[timem:s10], [sflag:s22] =	dma.local [hbm:s8], s20  }
0xa1: {  	_ =	swait.ge [sflag:s22], s20  }
0xa2: {  	s7 =	ssub.s32 $0x0, s20;
	[sflag:s22] =	ssyncset.done $0x0  }
0xa3: {  	[sflag:s22] =	ssyncadd.s32 s7;
	_ =	sdelay $0x1  }
0xa4: {  	s23 =	simm.s32 $0x1B8B  }
0xa5: {  	_ =	swait.ge [sflag:s23], $0x1  }
0xa6: {  	[sflag:s23] =	ssyncset.done $0x0  }
0xa7: {  	s25 =	simm.s32 $0x1B8E;
	s24 =	sld [smem:$0x3FFE];
	[sflag:s23] =	ssyncadd.s32 $0xFFFFFFFF  }
0xa8: {  	s26 =	simm.s32 $execute0_lowered;
	[smem:$0x3FD2] =	sst s25  }
0xa9: {  	s8 =	sshll.u32 s26, $0x1;
	_ =	strace $0x80000046;
	[dreg:$0x1] =	wrdreg $0xFFFFFFFF  }
0xaa: {  	s28 =	simm.s32 $_size_execute0_lowered;
	s6 =	sadd.s32 s6, s8;
	[dreg:$0x0] =	wrdreg $0x0  }
0xab: {  	s8 =	sshll.u32 s28, $0x1;
	[dreg:$0x2] =	wrdreg s6  }
0xac: {  	[dreg:$0x3] =	wrdreg s8  }
0xad: {  	[dreg:$0x4] =	wrdreg $0xC0  }
0xae: {  	_ =	task [dreg:s10], $0x5FFFF  }
0xaf: {  	[dreg:$0x1] =	wrdreg $0xFFFFFFFF  }
0xb0: {  	[dreg:$0x0] =	wrdreg $0x60  }
0xb1: {  	[dreg:$0x2] =	wrdreg s2  }
0xb2: {  	[dreg:$0x3] =	wrdreg s18  }
0xb3: {  	[dreg:$0x4] =	wrdreg s4  }
0xb4: {  	[dreg:$0x5] =	wrdreg s5  }
0xb5: {  	[dreg:$0x6] =	wrdreg s24  }
0xb6: {  	[dreg:$0x7] =	wrdreg $0x9  }
0xb7: {  	_ =	task.clear_ibuf [dreg:s10], $0x8FFFF;
	_ =	strace $0x90000046  }
0xb8: {  	s29 =	simm.s32 $0x9;
	_ =	strace $0x80000048  }
0xb9: {  	_ =	swait.ge [sflag:s29], $0x1  }
0xba: {  	[sflag:s29] =	ssyncadd.s32 $0xFFFFFFFF  }
0xbb: {  	_ =	strace $0x90000048  }
0xbc: {  	_ =	sfence  }
0xbd: {  	s30 =	sld [smem:$0x0];
	_ =	sdelay $0x2  }
0xbe: {  	s31 =	sshll.u32 s1, $0xD;
	s1 =	sshrl.u32 s1, $0x2  }
0xbf: {  	s3 =	sand.u32 $0x4000, s31;
	s1 =	sadd.s32 s1, s30  }
0xc0: {  	s0 =	sor.u32 s3, s0;
	s1 =	sshll.u32 s1, $0x11  }
0xc1: {  	s0 =	sor.u32 s1, s0  }
0xc2: {  	s0 =	sadd.s32 $0x8F2B, s0  }
0xc3: {  	[sflag:s0] =	ssyncadd.remote.s32 $0x1  }
0xc4: {  	_ =	sfence.sel $0xFFFF  }
0xc5: {  	[dreg:$0x0] =	wrdreg $0xFFFFFFFF;
	(pc) =	sbr.abs _section_cstart, $3  }
0xc6: {  	[dreg:$0x1] =	wrdreg $0xFFFFFFFF  }
0xc7: {  	_ =	task.clear_ibuf [dreg:s10], $0x2FFFF;
	_ =	strace $0x9FFFFFFF  }
0xc8: {  	(tm) =	ssettm $0x7FFFFFFF  }
0xc9: {  	_ =	shalt  }
tec
execute0_lowered:
.L_overlay_start_1:
0x0: {  	(tag) =	ssettag $0x1  }
0x1: {  	s0 =	rddreg [dreg:$0x0]  }
0x2: {  	s7 =	rddreg [dreg:$0x1];
	s1 =	srdreg.scid  }
0x3: {  	s3 =	rddreg [dreg:$0x2];
	s2 =	stileid.u32;
	s5 =	sand.u32 $0x1, s1  }
0x4: {  	s4 =	rddreg [dreg:$0x3];
	s6 =	sshll.u32 s2, $0xA;
	s8 =	sshll.u32 s5, $0x9  }
0x5: {  	s1 =	rddreg [dreg:$0x4];
	s2 =	simm.s32 $0x0;
	s8 =	sor.u32 s8, s6  }
0x6: {  	[smem:$0x7FF] =	sst s2;
	s9 =	sshrl.u32 s8, $0x3  }
0x7: {  	_ =	strace $0x80000047;
	s6 =	sadd.s32 $0x3400, s1;
	s0 =	sadd.s32 s0, s9  }
0x8: {  	s10 =	sshll.u32 s8, $0x4;
	s12 =	sadd.s32 s7, s9;
	[dreg:$0x6] =	wrdreg s0  }
0x9: {  	s8 =	sadd.s32 $0x83400, s1;
	s13 =	sadd.s32 s6, s10;
	[dreg:$0x7] =	wrdreg s12  }
0xa: {  	s7 =	sadd.s32 $0x43400, s1;
	s15 =	sadd.s32 s8, s10;
	[dreg:$0x8] =	wrdreg s13  }
0xb: {  	s9 =	sadd.s32 $0xC3400, s1;
	s14 =	sadd.s32 s7, s10;
	[dreg:$0xa] =	wrdreg s15  }
0xc: {  	s11 =	sor.u32 $0x400, s10;
	s16 =	sadd.s32 s9, s10;
	[dreg:$0x9] =	wrdreg s14  }
0xd: {  	s17 =	sadd.s32 s6, s11;
	[dreg:$0xb] =	wrdreg s16  }
0xe: {  	s18 =	sadd.s32 s7, s11;
	[dreg:$0xc] =	wrdreg s17  }
0xf: {  	s19 =	sadd.s32 s8, s11;
	[dreg:$0xd] =	wrdreg s18  }
0x10: {  	s21 =	sor.u32 $0x800, s10;
	s20 =	sadd.s32 s9, s11;
	[dreg:$0xe] =	wrdreg s19  }
0x11: {  	s22 =	sadd.s32 s6, s21;
	[dreg:$0xf] =	wrdreg s20  }
0x12: {  	s23 =	sadd.s32 s7, s21;
	[dreg:$0x10] =	wrdreg s22  }
0x13: {  	s24 =	sadd.s32 s8, s21;
	[dreg:$0x11] =	wrdreg s23  }
0x14: {  	s26 =	sor.u32 $0xC00, s10;
	s25 =	sadd.s32 s9, s21;
	[dreg:$0x12] =	wrdreg s24  }
0x15: {  	s12 =	sadd.s32 s6, s26;
	[dreg:$0x13] =	wrdreg s25  }
0x16: {  	s13 =	sadd.s32 s7, s26;
	[dreg:$0x14] =	wrdreg s12  }
0x17: {  	s15 =	sadd.s32 s9, s26;
	[dreg:$0x15] =	wrdreg s13  }
0x18: {  	s30 =	simm.s32 $0x200;
	[dreg:$0x17] =	wrdreg s15  }
0x19: {  	s21 =	sor.u32 $0x1400, s10;
	s14 =	sadd.s32 s8, s26;
	s0 =	rddreg [dreg:$0x6]  }
0x1a: {  	s31 =	simm.s32 $0x240;
	s22 =	sadd.s32 s6, s21;
	[dreg:$0x16] =	wrdreg s14  }
0x1b: {  	s28 =	simm.s32 $0x80;
	s23 =	sadd.s32 s7, s21;
	[dreg:$0x1c] =	wrdreg s22  }
0x1c: {  	s29 =	simm.s32 $0x280;
	s24 =	sadd.s32 s8, s21;
	[dreg:$0x1d] =	wrdreg s23  }
0x1d: {  	s16 =	sor.u32 $0x1000, s10;
	s25 =	sadd.s32 s9, s21;
	[dreg:$0x1e] =	wrdreg s24  }
0x1e: {  	p0 =	por $0x0, $0x0;
	s17 =	sadd.s32 s6, s16;
	[dreg:$0x1f] =	wrdreg s25  }
0x1f: {  	s5 =	ssub.s32 $0x2, s5;
	s18 =	sadd.s32 s7, s16;
	[dreg:$0x18] =	wrdreg s17  }
0x20: {  	s11 =	simm.s32 $0x6400;
	s19 =	sadd.s32 s8, s16;
	[dreg:$0x19] =	wrdreg s18  }
0x21: {  	s26 =	sor.u32 $0x1800, s10;
	s20 =	sadd.s32 s9, s16;
	[dreg:$0x1a] =	wrdreg s19  }
0x22: {  	s10 =	sor.u32 $0x1C00, s10;
	s12 =	sadd.s32 s6, s26;
	[dreg:$0x1b] =	wrdreg s20  }
0x23: {  	s13 =	sadd.s32 s7, s26;
	s14 =	sadd.s32 s8, s26;
	[smem:$0x7F6] =	sst s12  }
0x24: {  	s15 =	sadd.s32 s9, s26;
	s16 =	sadd.s32 s6, s10;
	[smem:$0x7F7] =	sst s13  }
0x25: {  	s6 =	simm.s32 $0xE400;
	s25 =	simm.s32 $0xC0;
	[smem:$0x7F8] =	sst s14  }
0x26: {  	s26 =	simm.s32 $0x2C0;
	s23 =	simm.s32 $0x100;
	[smem:$0x7F9] =	sst s15  }
0x27: {  	s24 =	simm.s32 $0x300;
	[smem:$0x7FA] =	sst s16;
	s17 =	sadd.s32 s7, s10  }
0x28: {  	s18 =	sadd.s32 s8, s10;
	s19 =	sshrl.u32 s5, $0x1;
	s20 =	sadd.s32 s9, s10  }
0x29: {  	s15 =	sadd.s32 $0x310800, s1;
	s16 =	simm.s32 $0x40;
	s21 =	ssub.s32 s5, s19  }
0x2a: {  	s14 =	simm.s32 $0x400;
	s13 =	simm.s32 $0x2400;
	s22 =	smax.u32 s21, $0x1  }
0x2b: {  	s12 =	simm.s32 $0x4400;
	s9 =	simm.s32 $0x8400;
	p1 =	sne.s32 s22, $0x1  }
.Ltmp0:
0x2c: {  	s8 =	simm.s32 $0xA400;
	[smem:$0x7FB] =	sst s17;
	(pc) =	sbr.rel @!p1 .LBB2_3-.Ltmp0, $4  }
0x2d: {  	s7 =	simm.s32 $0xC400;
	s10 =	simm.s32 $0x1;
	[smem:$0x7FC] =	sst s18  }
0x2e: {  	[smem:$0x7FD] =	sst s20;
	s5 =	simm.s32 $0x2;
	s19 =	simm.s32 $0x180  }
0x2f: {  	s20 =	simm.s32 $0x380;
	s17 =	simm.s32 $0x1C0;
	s18 =	simm.s32 $0x3C0  }
0x30: {  	s21 =	simm.s32 $0x140;
	s1 =	sadd.s32 $0xFFFFFFFF, s22;
	s22 =	simm.s32 $0x340  }
0x31: {  	[tilespmem:s2], [sflag:$0x2] =	stream.linear.gather [hbm4b:s0+s2], $0x200, $0x38;
	[tilespmem:$0x10400] =	vst v63  }
0x32: {  	_ =	swait.ge [sflag:s5], $0x200  }
0x33: {  	[sflag:s5] =	ssyncset.done $0x0  }
0x34: {  	s0 =	rddreg [dreg:$0x7];
	[sflag:s5] =	ssyncadd.s32 $0xFFFFFE00  }
0x35: {  	[tilespmem:s30], [sflag:$0x2] =	stream.linear.gather [hbm4b:s0+s2], $0x200, $0x38;
	[tilespmem:$0x10400] =	vst v63  }
0x36: {  	_ =	swait.ge [sflag:s5], $0x200  }
0x37: {  	[sflag:s5] =	ssyncset.done $0x0  }
0x38: {  	[sflag:s5] =	ssyncadd.s32 $0xFFFFFE00  }
0x39: {  	[tilespmem:s14], [sflag:$0x1] =	stream.indirect.gather [hbm4b:s3+s16], $0x80, s2, s16, $0xb8;
	[tilespmem:$0x10400] =	vst v63  }
0x3a: {  	_ = 	snop  }
0x3b: {  	[tilespmem:s13], [sflag:$0x1] =	stream.indirect.gather [hbm4b:s4+s16], $0x80, s30, s16, $0xb8;
	[tilespmem:$0x10400] =	vst v63  }
0x3c: {  	_ = 	snop  }
0x3d: {  	[tilespmem:s12], [sflag:$0x1] =	stream.indirect.gather [hbm4b:s15+s16], $0x80, s2, s16, $0xb8;
	[tilespmem:$0x10400] =	vst v63  }
0x3e: {  	_ = 	snop  }
0x3f: {  	[tilespmem:s11], [sflag:$0x1] =	stream.indirect.gather [hbm4b:s15+s16], $0x80, s30, s16, $0xb8;
	[tilespmem:$0x10400] =	vst v63  }
0x40: {  	_ = 	snop  }
0x41: {  	[tilespmem:s9], [sflag:$0x1] =	stream.indirect.gather [hbm4b:s3+s16], $0x80, s16, s16, $0xb8;
	[tilespmem:$0x10400] =	vst v63  }
0x42: {  	_ = 	snop  }
0x43: {  	[tilespmem:s8], [sflag:$0x1] =	stream.indirect.gather [hbm4b:s4+s16], $0x80, s31, s16, $0xb8;
	[tilespmem:$0x10400] =	vst v63  }
0x44: {  	_ = 	snop  }
0x45: {  	[tilespmem:s7], [sflag:$0x1] =	stream.indirect.gather [hbm4b:s15+s16], $0x80, s16, s16, $0xb8;
	[tilespmem:$0x10400] =	vst v63  }
0x46: {  	_ = 	snop  }
0x47: {  	[tilespmem:s6], [sflag:$0x1] =	stream.indirect.gather [hbm4b:s15+s16], $0x80, s31, s16, $0xb8;
	[tilespmem:$0x10400] =	vst v63  }
0x48: {  	_ =	swait.ge [sflag:s10], $0x2000  }
0x49: {  	[sflag:s10] =	ssyncset.done $0x0  }
0x4a: {  	[sflag:s10] =	ssyncadd.s32 $0xFFFFE000  }
0x4b: {  	_ =	swait.ge [sflag:s10], $0x2000  }
0x4c: {  	[sflag:s10] =	ssyncset.done $0x0  }
0x4d: {  	[sflag:s10] =	ssyncadd.s32 $0xFFFFE000  }
0x4e: {  	_ =	swait.ge [sflag:s10], $0x2000  }
0x4f: {  	[sflag:s10] =	ssyncset.done $0x0  }
0x50: {  	[sflag:s10] =	ssyncadd.s32 $0xFFFFE000  }
0x51: {  	_ =	swait.ge [sflag:s10], $0x2000  }
0x52: {  	[sflag:s10] =	ssyncset.done $0x0  }
0x53: {  	s0 =	rddreg [dreg:$0x8];
	[sflag:s10] =	ssyncadd.s32 $0xFFFFE000  }
0x54: {  	[hbm4b:s0+s2] =	stream.linear.scatter [tilespmem:s14], [sflag:$0x2], $0x2000, $0x38;
	[tilespmem:$0x10400] =	vst v63  }
0x55: {  	_ =	swait.ge [sflag:s5], $0x2000  }
0x56: {  	[sflag:s5] =	ssyncset.done $0x0  }
0x57: {  	s0 =	rddreg [dreg:$0x9];
	[sflag:s5] =	ssyncadd.s32 $0xFFFFE000  }
0x58: {  	[hbm4b:s0+s2] =	stream.linear.scatter [tilespmem:s13], [sflag:$0x2], $0x2000, $0x38;
	[tilespmem:$0x10400] =	vst v63  }
0x59: {  	_ =	swait.ge [sflag:s5], $0x2000  }
0x5a: {  	[sflag:s5] =	ssyncset.done $0x0  }
0x5b: {  	s0 =	rddreg [dreg:$0xa];
	[sflag:s5] =	ssyncadd.s32 $0xFFFFE000  }
0x5c: {  	[hbm4b:s0+s2] =	stream.linear.scatter [tilespmem:s12], [sflag:$0x2], $0x2000, $0x38;
	[tilespmem:$0x10400] =	vst v63  }
0x5d: {  	_ =	swait.ge [sflag:s5], $0x2000  }
0x5e: {  	[sflag:s5] =	ssyncset.done $0x0  }
0x5f: {  	s0 =	rddreg [dreg:$0xb];
	[sflag:s5] =	ssyncadd.s32 $0xFFFFE000  }
0x60: {  	[hbm4b:s0+s2] =	stream.linear.scatter [tilespmem:s11], [sflag:$0x2], $0x2000, $0x38;
	[tilespmem:$0x10400] =	vst v63  }
0x61: {  	_ =	swait.ge [sflag:s5], $0x2000  }
0x62: {  	[sflag:s5] =	ssyncset.done $0x0  }
0x63: {  	[sflag:s5] =	ssyncadd.s32 $0xFFFFE000  }
0x64: {  	[tilespmem:s14], [sflag:$0x1] =	stream.indirect.gather [hbm4b:s3+s16], $0x80, s28, s16, $0xb8;
	[tilespmem:$0x10400] =	vst v63  }
0x65: {  	_ = 	snop  }
0x66: {  	[tilespmem:s13], [sflag:$0x1] =	stream.indirect.gather [hbm4b:s4+s16], $0x80, s29, s16, $0xb8;
	[tilespmem:$0x10400] =	vst v63  }
0x67: {  	_ = 	snop  }
0x68: {  	[tilespmem:s12], [sflag:$0x1] =	stream.indirect.gather [hbm4b:s15+s16], $0x80, s28, s16, $0xb8;
	[tilespmem:$0x10400] =	vst v63  }
0x69: {  	_ = 	snop  }
0x6a: {  	[tilespmem:s11], [sflag:$0x1] =	stream.indirect.gather [hbm4b:s15+s16], $0x80, s29, s16, $0xb8;
	[tilespmem:$0x10400] =	vst v63  }
0x6b: {  	_ =	swait.ge [sflag:s10], $0x2000  }
0x6c: {  	[sflag:s10] =	ssyncset.done $0x0  }
0x6d: {  	[sflag:s10] =	ssyncadd.s32 $0xFFFFE000  }
0x6e: {  	_ =	swait.ge [sflag:s10], $0x2000  }
0x6f: {  	[sflag:s10] =	ssyncset.done $0x0  }
0x70: {  	[sflag:s10] =	ssyncadd.s32 $0xFFFFE000  }
0x71: {  	_ =	swait.ge [sflag:s10], $0x2000  }
0x72: {  	[sflag:s10] =	ssyncset.done $0x0  }
0x73: {  	[sflag:s10] =	ssyncadd.s32 $0xFFFFE000  }
0x74: {  	_ =	swait.ge [sflag:s10], $0x2000  }
0x75: {  	[sflag:s10] =	ssyncset.done $0x0  }
0x76: {  	s0 =	rddreg [dreg:$0xc];
	[sflag:s10] =	ssyncadd.s32 $0xFFFFE000  }
0x77: {  	[hbm4b:s0+s2] =	stream.linear.scatter [tilespmem:s9], [sflag:$0x2], $0x2000, $0x38;
	[tilespmem:$0x10400] =	vst v63  }
0x78: {  	_ =	swait.ge [sflag:s5], $0x2000  }
0x79: {  	[sflag:s5] =	ssyncset.done $0x0  }
0x7a: {  	s0 =	rddreg [dreg:$0xd];
	[sflag:s5] =	ssyncadd.s32 $0xFFFFE000  }
0x7b: {  	[hbm4b:s0+s2] =	stream.linear.scatter [tilespmem:s8], [sflag:$0x2], $0x2000, $0x38;
	[tilespmem:$0x10400] =	vst v63  }
0x7c: {  	_ =	swait.ge [sflag:s5], $0x2000  }
0x7d: {  	[sflag:s5] =	ssyncset.done $0x0  }
0x7e: {  	s0 =	rddreg [dreg:$0xe];
	[sflag:s5] =	ssyncadd.s32 $0xFFFFE000  }
0x7f: {  	[hbm4b:s0+s2] =	stream.linear.scatter [tilespmem:s7], [sflag:$0x2], $0x2000, $0x38;
	[tilespmem:$0x10400] =	vst v63  }
0x80: {  	_ =	swait.ge [sflag:s5], $0x2000  }
0x81: {  	[sflag:s5] =	ssyncset.done $0x0  }
0x82: {  	s0 =	rddreg [dreg:$0xf];
	[sflag:s5] =	ssyncadd.s32 $0xFFFFE000  }
0x83: {  	[hbm4b:s0+s2] =	stream.linear.scatter [tilespmem:s6], [sflag:$0x2], $0x2000, $0x38;
	[tilespmem:$0x10400] =	vst v63  }
0x84: {  	_ =	swait.ge [sflag:s5], $0x2000  }
0x85: {  	[sflag:s5] =	ssyncset.done $0x0  }
0x86: {  	[sflag:s5] =	ssyncadd.s32 $0xFFFFE000  }
0x87: {  	[tilespmem:s9], [sflag:$0x1] =	stream.indirect.gather [hbm4b:s3+s16], $0x80, s25, s16, $0xb8;
	[tilespmem:$0x10400] =	vst v63  }
0x88: {  	_ = 	snop  }
0x89: {  	[tilespmem:s8], [sflag:$0x1] =	stream.indirect.gather [hbm4b:s4+s16], $0x80, s26, s16, $0xb8;
	[tilespmem:$0x10400] =	vst v63  }
0x8a: {  	_ = 	snop  }
0x8b: {  	[tilespmem:s7], [sflag:$0x1] =	stream.indirect.gather [hbm4b:s15+s16], $0x80, s25, s16, $0xb8;
	[tilespmem:$0x10400] =	vst v63  }
0x8c: {  	_ = 	snop  }
0x8d: {  	[tilespmem:s6], [sflag:$0x1] =	stream.indirect.gather [hbm4b:s15+s16], $0x80, s26, s16, $0xb8;
	[tilespmem:$0x10400] =	vst v63  }
0x8e: {  	_ =	swait.ge [sflag:s10], $0x2000  }
0x8f: {  	[sflag:s10] =	ssyncset.done $0x0  }
0x90: {  	[sflag:s10] =	ssyncadd.s32 $0xFFFFE000  }
0x91: {  	_ =	swait.ge [sflag:s10], $0x2000  }
0x92: {  	[sflag:s10] =	ssyncset.done $0x0  }
0x93: {  	[sflag:s10] =	ssyncadd.s32 $0xFFFFE000  }
0x94: {  	_ =	swait.ge [sflag:s10], $0x2000  }
0x95: {  	[sflag:s10] =	ssyncset.done $0x0  }
0x96: {  	[sflag:s10] =	ssyncadd.s32 $0xFFFFE000  }
0x97: {  	_ =	swait.ge [sflag:s10], $0x2000  }
0x98: {  	[sflag:s10] =	ssyncset.done $0x0  }
0x99: {  	s0 =	rddreg [dreg:$0x10];
	[sflag:s10] =	ssyncadd.s32 $0xFFFFE000  }
0x9a: {  	[hbm4b:s0+s2] =	stream.linear.scatter [tilespmem:s14], [sflag:$0x2], $0x2000, $0x38;
	[tilespmem:$0x10400] =	vst v63  }
0x9b: {  	_ =	swait.ge [sflag:s5], $0x2000  }
0x9c: {  	[sflag:s5] =	ssyncset.done $0x0  }
0x9d: {  	s0 =	rddreg [dreg:$0x11];
	[sflag:s5] =	ssyncadd.s32 $0xFFFFE000  }
0x9e: {  	[hbm4b:s0+s2] =	stream.linear.scatter [tilespmem:s13], [sflag:$0x2], $0x2000, $0x38;
	[tilespmem:$0x10400] =	vst v63  }
0x9f: {  	_ =	swait.ge [sflag:s5], $0x2000  }
0xa0: {  	[sflag:s5] =	ssyncset.done $0x0  }
0xa1: {  	s0 =	rddreg [dreg:$0x12];
	[sflag:s5] =	ssyncadd.s32 $0xFFFFE000  }
0xa2: {  	[hbm4b:s0+s2] =	stream.linear.scatter [tilespmem:s12], [sflag:$0x2], $0x2000, $0x38;
	[tilespmem:$0x10400] =	vst v63  }
0xa3: {  	_ =	swait.ge [sflag:s5], $0x2000  }
0xa4: {  	[sflag:s5] =	ssyncset.done $0x0  }
0xa5: {  	s0 =	rddreg [dreg:$0x13];
	[sflag:s5] =	ssyncadd.s32 $0xFFFFE000  }
0xa6: {  	[hbm4b:s0+s2] =	stream.linear.scatter [tilespmem:s11], [sflag:$0x2], $0x2000, $0x38;
	[tilespmem:$0x10400] =	vst v63  }
0xa7: {  	_ =	swait.ge [sflag:s5], $0x2000  }
0xa8: {  	[sflag:s5] =	ssyncset.done $0x0  }
0xa9: {  	[sflag:s5] =	ssyncadd.s32 $0xFFFFE000  }
0xaa: {  	[tilespmem:s14], [sflag:$0x1] =	stream.indirect.gather [hbm4b:s3+s16], $0x80, s23, s16, $0xb8;
	[tilespmem:$0x10400] =	vst v63  }
0xab: {  	_ = 	snop  }
0xac: {  	[tilespmem:s13], [sflag:$0x1] =	stream.indirect.gather [hbm4b:s4+s16], $0x80, s24, s16, $0xb8;
	[tilespmem:$0x10400] =	vst v63  }
0xad: {  	_ = 	snop  }
0xae: {  	[tilespmem:s12], [sflag:$0x1] =	stream.indirect.gather [hbm4b:s15+s16], $0x80, s23, s16, $0xb8;
	[tilespmem:$0x10400] =	vst v63  }
0xaf: {  	_ = 	snop  }
0xb0: {  	[tilespmem:s11], [sflag:$0x1] =	stream.indirect.gather [hbm4b:s15+s16], $0x80, s24, s16, $0xb8;
	[tilespmem:$0x10400] =	vst v63  }
0xb1: {  	_ =	swait.ge [sflag:s10], $0x2000  }
0xb2: {  	[sflag:s10] =	ssyncset.done $0x0  }
0xb3: {  	[sflag:s10] =	ssyncadd.s32 $0xFFFFE000  }
0xb4: {  	_ =	swait.ge [sflag:s10], $0x2000  }
0xb5: {  	[sflag:s10] =	ssyncset.done $0x0  }
0xb6: {  	[sflag:s10] =	ssyncadd.s32 $0xFFFFE000  }
0xb7: {  	_ =	swait.ge [sflag:s10], $0x2000  }
0xb8: {  	[sflag:s10] =	ssyncset.done $0x0  }
0xb9: {  	[sflag:s10] =	ssyncadd.s32 $0xFFFFE000  }
0xba: {  	_ =	swait.ge [sflag:s10], $0x2000  }
0xbb: {  	[sflag:s10] =	ssyncset.done $0x0  }
0xbc: {  	s0 =	rddreg [dreg:$0x14];
	[sflag:s10] =	ssyncadd.s32 $0xFFFFE000  }
0xbd: {  	[hbm4b:s0+s2] =	stream.linear.scatter [tilespmem:s9], [sflag:$0x2], $0x2000, $0x38;
	[tilespmem:$0x10400] =	vst v63  }
0xbe: {  	_ =	swait.ge [sflag:s5], $0x2000  }
0xbf: {  	[sflag:s5] =	ssyncset.done $0x0  }
0xc0: {  	s0 =	rddreg [dreg:$0x15];
	[sflag:s5] =	ssyncadd.s32 $0xFFFFE000  }
0xc1: {  	[hbm4b:s0+s2] =	stream.linear.scatter [tilespmem:s8], [sflag:$0x2], $0x2000, $0x38;
	[tilespmem:$0x10400] =	vst v63  }
0xc2: {  	_ =	swait.ge [sflag:s5], $0x2000  }
0xc3: {  	[sflag:s5] =	ssyncset.done $0x0  }
0xc4: {  	s0 =	rddreg [dreg:$0x16];
	[sflag:s5] =	ssyncadd.s32 $0xFFFFE000  }
0xc5: {  	[hbm4b:s0+s2] =	stream.linear.scatter [tilespmem:s7], [sflag:$0x2], $0x2000, $0x38;
	[tilespmem:$0x10400] =	vst v63  }
0xc6: {  	_ =	swait.ge [sflag:s5], $0x2000  }
0xc7: {  	[sflag:s5] =	ssyncset.done $0x0  }
0xc8: {  	s0 =	rddreg [dreg:$0x17];
	[sflag:s5] =	ssyncadd.s32 $0xFFFFE000  }
0xc9: {  	[hbm4b:s0+s2] =	stream.linear.scatter [tilespmem:s6], [sflag:$0x2], $0x2000, $0x38;
	[tilespmem:$0x10400] =	vst v63  }
0xca: {  	_ =	swait.ge [sflag:s5], $0x2000  }
0xcb: {  	[sflag:s5] =	ssyncset.done $0x0  }
0xcc: {  	[sflag:s5] =	ssyncadd.s32 $0xFFFFE000  }
0xcd: {  	[tilespmem:s9], [sflag:$0x1] =	stream.indirect.gather [hbm4b:s3+s16], $0x80, s21, s16, $0xb8;
	[tilespmem:$0x10400] =	vst v63  }
0xce: {  	_ = 	snop  }
0xcf: {  	[tilespmem:s8], [sflag:$0x1] =	stream.indirect.gather [hbm4b:s4+s16], $0x80, s22, s16, $0xb8;
	[tilespmem:$0x10400] =	vst v63  }
0xd0: {  	_ = 	snop  }
0xd1: {  	[tilespmem:s7], [sflag:$0x1] =	stream.indirect.gather [hbm4b:s15+s16], $0x80, s21, s16, $0xb8;
	[tilespmem:$0x10400] =	vst v63  }
0xd2: {  	_ = 	snop  }
0xd3: {  	[tilespmem:s6], [sflag:$0x1] =	stream.indirect.gather [hbm4b:s15+s16], $0x80, s22, s16, $0xb8;
	[tilespmem:$0x10400] =	vst v63  }
0xd4: {  	_ =	swait.ge [sflag:s10], $0x2000  }
0xd5: {  	[sflag:s10] =	ssyncset.done $0x0  }
0xd6: {  	[sflag:s10] =	ssyncadd.s32 $0xFFFFE000  }
0xd7: {  	_ =	swait.ge [sflag:s10], $0x2000  }
0xd8: {  	[sflag:s10] =	ssyncset.done $0x0  }
0xd9: {  	[sflag:s10] =	ssyncadd.s32 $0xFFFFE000  }
0xda: {  	_ =	swait.ge [sflag:s10], $0x2000  }
0xdb: {  	[sflag:s10] =	ssyncset.done $0x0  }
0xdc: {  	[sflag:s10] =	ssyncadd.s32 $0xFFFFE000  }
0xdd: {  	_ =	swait.ge [sflag:s10], $0x2000  }
0xde: {  	[sflag:s10] =	ssyncset.done $0x0  }
0xdf: {  	s0 =	rddreg [dreg:$0x18];
	[sflag:s10] =	ssyncadd.s32 $0xFFFFE000  }
0xe0: {  	[hbm4b:s0+s2] =	stream.linear.scatter [tilespmem:s14], [sflag:$0x2], $0x2000, $0x38;
	[tilespmem:$0x10400] =	vst v63  }
0xe1: {  	_ =	swait.ge [sflag:s5], $0x2000  }
0xe2: {  	[sflag:s5] =	ssyncset.done $0x0  }
0xe3: {  	s0 =	rddreg [dreg:$0x19];
	[sflag:s5] =	ssyncadd.s32 $0xFFFFE000  }
0xe4: {  	[hbm4b:s0+s2] =	stream.linear.scatter [tilespmem:s13], [sflag:$0x2], $0x2000, $0x38;
	[tilespmem:$0x10400] =	vst v63  }
0xe5: {  	_ =	swait.ge [sflag:s5], $0x2000  }
0xe6: {  	[sflag:s5] =	ssyncset.done $0x0  }
0xe7: {  	s0 =	rddreg [dreg:$0x1a];
	[sflag:s5] =	ssyncadd.s32 $0xFFFFE000  }
0xe8: {  	[hbm4b:s0+s2] =	stream.linear.scatter [tilespmem:s12], [sflag:$0x2], $0x2000, $0x38;
	[tilespmem:$0x10400] =	vst v63  }
0xe9: {  	_ =	swait.ge [sflag:s5], $0x2000  }
0xea: {  	[sflag:s5] =	ssyncset.done $0x0  }
0xeb: {  	s0 =	rddreg [dreg:$0x1b];
	[sflag:s5] =	ssyncadd.s32 $0xFFFFE000  }
0xec: {  	[hbm4b:s0+s2] =	stream.linear.scatter [tilespmem:s11], [sflag:$0x2], $0x2000, $0x38;
	[tilespmem:$0x10400] =	vst v63  }
0xed: {  	_ =	swait.ge [sflag:s5], $0x2000  }
0xee: {  	[sflag:s5] =	ssyncset.done $0x0  }
0xef: {  	[sflag:s5] =	ssyncadd.s32 $0xFFFFE000  }
0xf0: {  	[tilespmem:s14], [sflag:$0x1] =	stream.indirect.gather [hbm4b:s3+s16], $0x80, s19, s16, $0xb8;
	[tilespmem:$0x10400] =	vst v63  }
0xf1: {  	_ = 	snop  }
0xf2: {  	[tilespmem:s13], [sflag:$0x1] =	stream.indirect.gather [hbm4b:s4+s16], $0x80, s20, s16, $0xb8;
	[tilespmem:$0x10400] =	vst v63  }
0xf3: {  	_ = 	snop  }
0xf4: {  	[tilespmem:s12], [sflag:$0x1] =	stream.indirect.gather [hbm4b:s15+s16], $0x80, s19, s16, $0xb8;
	[tilespmem:$0x10400] =	vst v63  }
0xf5: {  	_ = 	snop  }
0xf6: {  	[tilespmem:s11], [sflag:$0x1] =	stream.indirect.gather [hbm4b:s15+s16], $0x80, s20, s16, $0xb8;
	[tilespmem:$0x10400] =	vst v63  }
0xf7: {  	_ =	swait.ge [sflag:s10], $0x2000  }
0xf8: {  	[sflag:s10] =	ssyncset.done $0x0  }
0xf9: {  	[sflag:s10] =	ssyncadd.s32 $0xFFFFE000  }
0xfa: {  	_ =	swait.ge [sflag:s10], $0x2000  }
0xfb: {  	[sflag:s10] =	ssyncset.done $0x0  }
0xfc: {  	[sflag:s10] =	ssyncadd.s32 $0xFFFFE000  }
0xfd: {  	_ =	swait.ge [sflag:s10], $0x2000  }
0xfe: {  	[sflag:s10] =	ssyncset.done $0x0  }
0xff: {  	[sflag:s10] =	ssyncadd.s32 $0xFFFFE000  }
0x100: {  	_ =	swait.ge [sflag:s10], $0x2000  }
0x101: {  	[sflag:s10] =	ssyncset.done $0x0  }
0x102: {  	s0 =	rddreg [dreg:$0x1c];
	[sflag:s10] =	ssyncadd.s32 $0xFFFFE000  }
0x103: {  	[hbm4b:s0+s2] =	stream.linear.scatter [tilespmem:s9], [sflag:$0x2], $0x2000, $0x38;
	[tilespmem:$0x10400] =	vst v63  }
0x104: {  	_ =	swait.ge [sflag:s5], $0x2000  }
0x105: {  	[sflag:s5] =	ssyncset.done $0x0  }
0x106: {  	s0 =	rddreg [dreg:$0x1d];
	[sflag:s5] =	ssyncadd.s32 $0xFFFFE000  }
0x107: {  	[hbm4b:s0+s2] =	stream.linear.scatter [tilespmem:s8], [sflag:$0x2], $0x2000, $0x38;
	[tilespmem:$0x10400] =	vst v63  }
0x108: {  	_ =	swait.ge [sflag:s5], $0x2000  }
0x109: {  	[sflag:s5] =	ssyncset.done $0x0  }
0x10a: {  	s0 =	rddreg [dreg:$0x1e];
	[sflag:s5] =	ssyncadd.s32 $0xFFFFE000  }
0x10b: {  	[hbm4b:s0+s2] =	stream.linear.scatter [tilespmem:s7], [sflag:$0x2], $0x2000, $0x38;
	[tilespmem:$0x10400] =	vst v63  }
0x10c: {  	_ =	swait.ge [sflag:s5], $0x2000  }
0x10d: {  	[sflag:s5] =	ssyncset.done $0x0  }
0x10e: {  	s0 =	rddreg [dreg:$0x1f];
	[sflag:s5] =	ssyncadd.s32 $0xFFFFE000  }
0x10f: {  	[hbm4b:s0+s2] =	stream.linear.scatter [tilespmem:s6], [sflag:$0x2], $0x2000, $0x38;
	[tilespmem:$0x10400] =	vst v63  }
0x110: {  	_ =	swait.ge [sflag:s5], $0x2000  }
0x111: {  	[sflag:s5] =	ssyncset.done $0x0  }
0x112: {  	[sflag:s5] =	ssyncadd.s32 $0xFFFFE000  }
0x113: {  	[tilespmem:s9], [sflag:$0x1] =	stream.indirect.gather [hbm4b:s3+s16], $0x80, s17, s16, $0xb8;
	[tilespmem:$0x10400] =	vst v63  }
0x114: {  	_ = 	snop  }
0x115: {  	[tilespmem:s8], [sflag:$0x1] =	stream.indirect.gather [hbm4b:s4+s16], $0x80, s18, s16, $0xb8;
	[tilespmem:$0x10400] =	vst v63  }
0x116: {  	_ = 	snop  }
0x117: {  	[tilespmem:s7], [sflag:$0x1] =	stream.indirect.gather [hbm4b:s15+s16], $0x80, s17, s16, $0xb8;
	[tilespmem:$0x10400] =	vst v63  }
0x118: {  	_ = 	snop  }
0x119: {  	[tilespmem:s6], [sflag:$0x1] =	stream.indirect.gather [hbm4b:s15+s16], $0x80, s18, s16, $0xb8;
	[tilespmem:$0x10400] =	vst v63  }
0x11a: {  	_ =	swait.ge [sflag:s10], $0x2000  }
0x11b: {  	[sflag:s10] =	ssyncset.done $0x0  }
0x11c: {  	[sflag:s10] =	ssyncadd.s32 $0xFFFFE000  }
0x11d: {  	_ =	swait.ge [sflag:s10], $0x2000  }
0x11e: {  	[sflag:s10] =	ssyncset.done $0x0  }
0x11f: {  	[sflag:s10] =	ssyncadd.s32 $0xFFFFE000  }
0x120: {  	_ =	swait.ge [sflag:s10], $0x2000  }
0x121: {  	[sflag:s10] =	ssyncset.done $0x0  }
0x122: {  	[sflag:s10] =	ssyncadd.s32 $0xFFFFE000  }
0x123: {  	_ =	swait.ge [sflag:s10], $0x2000  }
0x124: {  	s0 =	sld [smem:$0x7F6]  }
0x125: {  	[sflag:s10] =	ssyncset.done $0x0  }
0x126: {  	[sflag:s10] =	ssyncadd.s32 $0xFFFFE000  }
0x127: {  	[hbm4b:s0+s2] =	stream.linear.scatter [tilespmem:s14], [sflag:$0x2], $0x2000, $0x38;
	[tilespmem:$0x10400] =	vst v63  }
0x128: {  	_ =	swait.ge [sflag:s5], $0x2000  }
0x129: {  	s0 =	sld [smem:$0x7F7]  }
0x12a: {  	[sflag:s5] =	ssyncset.done $0x0  }
0x12b: {  	[sflag:s5] =	ssyncadd.s32 $0xFFFFE000  }
0x12c: {  	[hbm4b:s0+s2] =	stream.linear.scatter [tilespmem:s13], [sflag:$0x2], $0x2000, $0x38;
	[tilespmem:$0x10400] =	vst v63  }
0x12d: {  	_ =	swait.ge [sflag:s5], $0x2000  }
0x12e: {  	s0 =	sld [smem:$0x7F8]  }
0x12f: {  	[sflag:s5] =	ssyncset.done $0x0  }
0x130: {  	[sflag:s5] =	ssyncadd.s32 $0xFFFFE000  }
0x131: {  	[hbm4b:s0+s2] =	stream.linear.scatter [tilespmem:s12], [sflag:$0x2], $0x2000, $0x38;
	[tilespmem:$0x10400] =	vst v63  }
0x132: {  	_ =	swait.ge [sflag:s5], $0x2000  }
0x133: {  	s0 =	sld [smem:$0x7F9]  }
0x134: {  	[sflag:s5] =	ssyncset.done $0x0  }
0x135: {  	[sflag:s5] =	ssyncadd.s32 $0xFFFFE000  }
0x136: {  	[hbm4b:s0+s2] =	stream.linear.scatter [tilespmem:s11], [sflag:$0x2], $0x2000, $0x38;
	[tilespmem:$0x10400] =	vst v63  }
0x137: {  	_ =	swait.ge [sflag:s5], $0x2000  }
0x138: {  	[sflag:s5] =	ssyncset.done $0x0  }
0x139: {  	[sflag:s5] =	ssyncadd.s32 $0xFFFFE000  }
0x13a: {  	_ =	swait.ge [sflag:s10], $0x2000  }
0x13b: {  	[sflag:s10] =	ssyncset.done $0x0  }
0x13c: {  	[sflag:s10] =	ssyncadd.s32 $0xFFFFE000  }
0x13d: {  	_ =	swait.ge [sflag:s10], $0x2000  }
0x13e: {  	[sflag:s10] =	ssyncset.done $0x0  }
0x13f: {  	[sflag:s10] =	ssyncadd.s32 $0xFFFFE000  }
0x140: {  	_ =	swait.ge [sflag:s10], $0x2000  }
0x141: {  	[sflag:s10] =	ssyncset.done $0x0  }
0x142: {  	[sflag:s10] =	ssyncadd.s32 $0xFFFFE000  }
0x143: {  	_ =	swait.ge [sflag:s10], $0x2000  }
0x144: {  	s0 =	sld [smem:$0x7FA]  }
0x145: {  	[sflag:s10] =	ssyncset.done $0x0  }
0x146: {  	[sflag:s10] =	ssyncadd.s32 $0xFFFFE000  }
0x147: {  	[hbm4b:s0+s2] =	stream.linear.scatter [tilespmem:s9], [sflag:$0x2], $0x2000, $0x38;
	[tilespmem:$0x10400] =	vst v63  }
0x148: {  	_ =	swait.ge [sflag:s5], $0x2000  }
0x149: {  	s0 =	sld [smem:$0x7FB]  }
0x14a: {  	[sflag:s5] =	ssyncset.done $0x0  }
0x14b: {  	[sflag:s5] =	ssyncadd.s32 $0xFFFFE000  }
0x14c: {  	[hbm4b:s0+s2] =	stream.linear.scatter [tilespmem:s8], [sflag:$0x2], $0x2000, $0x38;
	[tilespmem:$0x10400] =	vst v63  }
0x14d: {  	_ =	swait.ge [sflag:s5], $0x2000  }
0x14e: {  	s0 =	sld [smem:$0x7FC]  }
0x14f: {  	[sflag:s5] =	ssyncset.done $0x0  }
0x150: {  	[sflag:s5] =	ssyncadd.s32 $0xFFFFE000  }
0x151: {  	[hbm4b:s0+s2] =	stream.linear.scatter [tilespmem:s7], [sflag:$0x2], $0x2000, $0x38;
	[tilespmem:$0x10400] =	vst v63  }
0x152: {  	_ =	swait.ge [sflag:s5], $0x2000  }
0x153: {  	p1 =	sne.s32 s1, $0x1;
	s0 =	sld [smem:$0x7FD]  }
.Ltmp1:
0x154: {  	[sflag:s5] =	ssyncset.done $0x0;
	(pc) =	sbr.rel @!p1 .LBB2_3-.Ltmp1, $4  }
0x155: {  	[sflag:s5] =	ssyncadd.s32 $0xFFFFE000  }
0x156: {  	[hbm4b:s0+s2] =	stream.linear.scatter [tilespmem:s6], [sflag:$0x2], $0x2000, $0x38;
	[tilespmem:$0x10400] =	vst v63  }
0x157: {  	s1 =	sadd.s32 $0xFFFFFFFF, s1;
	_ =	swait.ge [sflag:s5], $0x2000  }
0x158: {  	p0 =	por $0x1, $0x1;
	s0 =	rddreg [dreg:$0x6];
	[sflag:s5] =	ssyncset.done $0x0  }
.LBB2_2:
0x159: {  	[sflag:s5] =	ssyncadd.s32 $0xFFFFE000  }
0x15a: {  	[tilespmem:s2], [sflag:$0x2] =	stream.linear.gather [hbm4b:s0+s2], $0x200, $0x38;
	[tilespmem:$0x10400] =	vst v63  }
0x15b: {  	_ =	swait.ge [sflag:s5], $0x200  }
0x15c: {  	[sflag:s5] =	ssyncset.done $0x0  }
0x15d: {  	s0 =	rddreg [dreg:$0x7];
	[sflag:s5] =	ssyncadd.s32 $0xFFFFFE00  }
0x15e: {  	[tilespmem:s30], [sflag:$0x2] =	stream.linear.gather [hbm4b:s0+s2], $0x200, $0x38;
	[tilespmem:$0x10400] =	vst v63  }
0x15f: {  	_ =	swait.ge [sflag:s5], $0x200  }
0x160: {  	[sflag:s5] =	ssyncset.done $0x0  }
0x161: {  	[sflag:s5] =	ssyncadd.s32 $0xFFFFFE00  }
0x162: {  	[tilespmem:s14], [sflag:$0x1] =	stream.indirect.gather [hbm4b:s3+s16], $0x80, s2, s16, $0xb8;
	[tilespmem:$0x10400] =	vst v63  }
0x163: {  	_ = 	snop  }
0x164: {  	[tilespmem:s13], [sflag:$0x1] =	stream.indirect.gather [hbm4b:s4+s16], $0x80, s30, s16, $0xb8;
	[tilespmem:$0x10400] =	vst v63  }
0x165: {  	_ = 	snop  }
0x166: {  	[tilespmem:s12], [sflag:$0x1] =	stream.indirect.gather [hbm4b:s15+s16], $0x80, s2, s16, $0xb8;
	[tilespmem:$0x10400] =	vst v63  }
0x167: {  	_ = 	snop  }
0x168: {  	[tilespmem:s11], [sflag:$0x1] =	stream.indirect.gather [hbm4b:s15+s16], $0x80, s30, s16, $0xb8;
	[tilespmem:$0x10400] =	vst v63  }
0x169: {  	_ = 	snop  }
0x16a: {  	[tilespmem:s9], [sflag:$0x1] =	stream.indirect.gather [hbm4b:s3+s16], $0x80, s16, s16, $0xb8;
	[tilespmem:$0x10400] =	vst v63  }
0x16b: {  	_ = 	snop  }
0x16c: {  	[tilespmem:s8], [sflag:$0x1] =	stream.indirect.gather [hbm4b:s4+s16], $0x80, s31, s16, $0xb8;
	[tilespmem:$0x10400] =	vst v63  }
0x16d: {  	_ = 	snop  }
0x16e: {  	[tilespmem:s7], [sflag:$0x1] =	stream.indirect.gather [hbm4b:s15+s16], $0x80, s16, s16, $0xb8;
	[tilespmem:$0x10400] =	vst v63  }
0x16f: {  	_ = 	snop  }
0x170: {  	[tilespmem:s6], [sflag:$0x1] =	stream.indirect.gather [hbm4b:s15+s16], $0x80, s31, s16, $0xb8;
	[tilespmem:$0x10400] =	vst v63  }
0x171: {  	_ =	swait.ge [sflag:s10], $0x2000  }
0x172: {  	[sflag:s10] =	ssyncset.done $0x0  }
0x173: {  	[sflag:s10] =	ssyncadd.s32 $0xFFFFE000  }
0x174: {  	_ =	swait.ge [sflag:s10], $0x2000  }
0x175: {  	[sflag:s10] =	ssyncset.done $0x0  }
0x176: {  	[sflag:s10] =	ssyncadd.s32 $0xFFFFE000  }
0x177: {  	_ =	swait.ge [sflag:s10], $0x2000  }
0x178: {  	[sflag:s10] =	ssyncset.done $0x0  }
0x179: {  	[sflag:s10] =	ssyncadd.s32 $0xFFFFE000  }
0x17a: {  	_ =	swait.ge [sflag:s10], $0x2000  }
0x17b: {  	[sflag:s10] =	ssyncset.done $0x0  }
0x17c: {  	s0 =	rddreg [dreg:$0x8];
	[sflag:s10] =	ssyncadd.s32 $0xFFFFE000  }
0x17d: {  	[hbm4b:s0+s2] =	stream.linear.scatter [tilespmem:s14], [sflag:$0x2], $0x2000, $0x38;
	[tilespmem:$0x10400] =	vst v63  }
0x17e: {  	_ =	swait.ge [sflag:s5], $0x2000  }
0x17f: {  	[sflag:s5] =	ssyncset.done $0x0  }
0x180: {  	s0 =	rddreg [dreg:$0x9];
	[sflag:s5] =	ssyncadd.s32 $0xFFFFE000  }
0x181: {  	[hbm4b:s0+s2] =	stream.linear.scatter [tilespmem:s13], [sflag:$0x2], $0x2000, $0x38;
	[tilespmem:$0x10400] =	vst v63  }
0x182: {  	_ =	swait.ge [sflag:s5], $0x2000  }
0x183: {  	[sflag:s5] =	ssyncset.done $0x0  }
0x184: {  	s0 =	rddreg [dreg:$0xa];
	[sflag:s5] =	ssyncadd.s32 $0xFFFFE000  }
0x185: {  	[hbm4b:s0+s2] =	stream.linear.scatter [tilespmem:s12], [sflag:$0x2], $0x2000, $0x38;
	[tilespmem:$0x10400] =	vst v63  }
0x186: {  	_ =	swait.ge [sflag:s5], $0x2000  }
0x187: {  	[sflag:s5] =	ssyncset.done $0x0  }
0x188: {  	s0 =	rddreg [dreg:$0xb];
	[sflag:s5] =	ssyncadd.s32 $0xFFFFE000  }
0x189: {  	[hbm4b:s0+s2] =	stream.linear.scatter [tilespmem:s11], [sflag:$0x2], $0x2000, $0x38;
	[tilespmem:$0x10400] =	vst v63  }
0x18a: {  	_ =	swait.ge [sflag:s5], $0x2000  }
0x18b: {  	[sflag:s5] =	ssyncset.done $0x0  }
0x18c: {  	[sflag:s5] =	ssyncadd.s32 $0xFFFFE000  }
0x18d: {  	[tilespmem:s14], [sflag:$0x1] =	stream.indirect.gather [hbm4b:s3+s16], $0x80, s28, s16, $0xb8;
	[tilespmem:$0x10400] =	vst v63  }
0x18e: {  	_ = 	snop  }
0x18f: {  	[tilespmem:s13], [sflag:$0x1] =	stream.indirect.gather [hbm4b:s4+s16], $0x80, s29, s16, $0xb8;
	[tilespmem:$0x10400] =	vst v63  }
0x190: {  	_ = 	snop  }
0x191: {  	[tilespmem:s12], [sflag:$0x1] =	stream.indirect.gather [hbm4b:s15+s16], $0x80, s28, s16, $0xb8;
	[tilespmem:$0x10400] =	vst v63  }
0x192: {  	_ = 	snop  }
0x193: {  	[tilespmem:s11], [sflag:$0x1] =	stream.indirect.gather [hbm4b:s15+s16], $0x80, s29, s16, $0xb8;
	[tilespmem:$0x10400] =	vst v63  }
0x194: {  	_ =	swait.ge [sflag:s10], $0x2000  }
0x195: {  	[sflag:s10] =	ssyncset.done $0x0  }
0x196: {  	[sflag:s10] =	ssyncadd.s32 $0xFFFFE000  }
0x197: {  	_ =	swait.ge [sflag:s10], $0x2000  }
0x198: {  	[sflag:s10] =	ssyncset.done $0x0  }
0x199: {  	[sflag:s10] =	ssyncadd.s32 $0xFFFFE000  }
0x19a: {  	_ =	swait.ge [sflag:s10], $0x2000  }
0x19b: {  	[sflag:s10] =	ssyncset.done $0x0  }
0x19c: {  	[sflag:s10] =	ssyncadd.s32 $0xFFFFE000  }
0x19d: {  	_ =	swait.ge [sflag:s10], $0x2000  }
0x19e: {  	[sflag:s10] =	ssyncset.done $0x0  }
0x19f: {  	s0 =	rddreg [dreg:$0xc];
	[sflag:s10] =	ssyncadd.s32 $0xFFFFE000  }
0x1a0: {  	[hbm4b:s0+s2] =	stream.linear.scatter [tilespmem:s9], [sflag:$0x2], $0x2000, $0x38;
	[tilespmem:$0x10400] =	vst v63  }
0x1a1: {  	_ =	swait.ge [sflag:s5], $0x2000  }
0x1a2: {  	[sflag:s5] =	ssyncset.done $0x0  }
0x1a3: {  	s0 =	rddreg [dreg:$0xd];
	[sflag:s5] =	ssyncadd.s32 $0xFFFFE000  }
0x1a4: {  	[hbm4b:s0+s2] =	stream.linear.scatter [tilespmem:s8], [sflag:$0x2], $0x2000, $0x38;
	[tilespmem:$0x10400] =	vst v63  }
0x1a5: {  	_ =	swait.ge [sflag:s5], $0x2000  }
0x1a6: {  	[sflag:s5] =	ssyncset.done $0x0  }
0x1a7: {  	s0 =	rddreg [dreg:$0xe];
	[sflag:s5] =	ssyncadd.s32 $0xFFFFE000  }
0x1a8: {  	[hbm4b:s0+s2] =	stream.linear.scatter [tilespmem:s7], [sflag:$0x2], $0x2000, $0x38;
	[tilespmem:$0x10400] =	vst v63  }
0x1a9: {  	_ =	swait.ge [sflag:s5], $0x2000  }
0x1aa: {  	[sflag:s5] =	ssyncset.done $0x0  }
0x1ab: {  	s0 =	rddreg [dreg:$0xf];
	[sflag:s5] =	ssyncadd.s32 $0xFFFFE000  }
0x1ac: {  	[hbm4b:s0+s2] =	stream.linear.scatter [tilespmem:s6], [sflag:$0x2], $0x2000, $0x38;
	[tilespmem:$0x10400] =	vst v63  }
0x1ad: {  	_ =	swait.ge [sflag:s5], $0x2000  }
0x1ae: {  	[sflag:s5] =	ssyncset.done $0x0  }
0x1af: {  	[sflag:s5] =	ssyncadd.s32 $0xFFFFE000  }
0x1b0: {  	[tilespmem:s9], [sflag:$0x1] =	stream.indirect.gather [hbm4b:s3+s16], $0x80, s25, s16, $0xb8;
	[tilespmem:$0x10400] =	vst v63  }
0x1b1: {  	_ = 	snop  }
0x1b2: {  	[tilespmem:s8], [sflag:$0x1] =	stream.indirect.gather [hbm4b:s4+s16], $0x80, s26, s16, $0xb8;
	[tilespmem:$0x10400] =	vst v63  }
0x1b3: {  	_ = 	snop  }
0x1b4: {  	[tilespmem:s7], [sflag:$0x1] =	stream.indirect.gather [hbm4b:s15+s16], $0x80, s25, s16, $0xb8;
	[tilespmem:$0x10400] =	vst v63  }
0x1b5: {  	_ = 	snop  }
0x1b6: {  	[tilespmem:s6], [sflag:$0x1] =	stream.indirect.gather [hbm4b:s15+s16], $0x80, s26, s16, $0xb8;
	[tilespmem:$0x10400] =	vst v63  }
0x1b7: {  	_ =	swait.ge [sflag:s10], $0x2000  }
0x1b8: {  	[sflag:s10] =	ssyncset.done $0x0  }
0x1b9: {  	[sflag:s10] =	ssyncadd.s32 $0xFFFFE000  }
0x1ba: {  	_ =	swait.ge [sflag:s10], $0x2000  }
0x1bb: {  	[sflag:s10] =	ssyncset.done $0x0  }
0x1bc: {  	[sflag:s10] =	ssyncadd.s32 $0xFFFFE000  }
0x1bd: {  	_ =	swait.ge [sflag:s10], $0x2000  }
0x1be: {  	[sflag:s10] =	ssyncset.done $0x0  }
0x1bf: {  	[sflag:s10] =	ssyncadd.s32 $0xFFFFE000  }
0x1c0: {  	_ =	swait.ge [sflag:s10], $0x2000  }
0x1c1: {  	[sflag:s10] =	ssyncset.done $0x0  }
0x1c2: {  	s0 =	rddreg [dreg:$0x10];
	[sflag:s10] =	ssyncadd.s32 $0xFFFFE000  }
0x1c3: {  	[hbm4b:s0+s2] =	stream.linear.scatter [tilespmem:s14], [sflag:$0x2], $0x2000, $0x38;
	[tilespmem:$0x10400] =	vst v63  }
0x1c4: {  	_ =	swait.ge [sflag:s5], $0x2000  }
0x1c5: {  	[sflag:s5] =	ssyncset.done $0x0  }
0x1c6: {  	s0 =	rddreg [dreg:$0x11];
	[sflag:s5] =	ssyncadd.s32 $0xFFFFE000  }
0x1c7: {  	[hbm4b:s0+s2] =	stream.linear.scatter [tilespmem:s13], [sflag:$0x2], $0x2000, $0x38;
	[tilespmem:$0x10400] =	vst v63  }
0x1c8: {  	_ =	swait.ge [sflag:s5], $0x2000  }
0x1c9: {  	[sflag:s5] =	ssyncset.done $0x0  }
0x1ca: {  	s0 =	rddreg [dreg:$0x12];
	[sflag:s5] =	ssyncadd.s32 $0xFFFFE000  }
0x1cb: {  	[hbm4b:s0+s2] =	stream.linear.scatter [tilespmem:s12], [sflag:$0x2], $0x2000, $0x38;
	[tilespmem:$0x10400] =	vst v63  }
0x1cc: {  	_ =	swait.ge [sflag:s5], $0x2000  }
0x1cd: {  	[sflag:s5] =	ssyncset.done $0x0  }
0x1ce: {  	s0 =	rddreg [dreg:$0x13];
	[sflag:s5] =	ssyncadd.s32 $0xFFFFE000  }
0x1cf: {  	[hbm4b:s0+s2] =	stream.linear.scatter [tilespmem:s11], [sflag:$0x2], $0x2000, $0x38;
	[tilespmem:$0x10400] =	vst v63  }
0x1d0: {  	_ =	swait.ge [sflag:s5], $0x2000  }
0x1d1: {  	[sflag:s5] =	ssyncset.done $0x0  }
0x1d2: {  	[sflag:s5] =	ssyncadd.s32 $0xFFFFE000  }
0x1d3: {  	[tilespmem:s14], [sflag:$0x1] =	stream.indirect.gather [hbm4b:s3+s16], $0x80, s23, s16, $0xb8;
	[tilespmem:$0x10400] =	vst v63  }
0x1d4: {  	_ = 	snop  }
0x1d5: {  	[tilespmem:s13], [sflag:$0x1] =	stream.indirect.gather [hbm4b:s4+s16], $0x80, s24, s16, $0xb8;
	[tilespmem:$0x10400] =	vst v63  }
0x1d6: {  	_ = 	snop  }
0x1d7: {  	[tilespmem:s12], [sflag:$0x1] =	stream.indirect.gather [hbm4b:s15+s16], $0x80, s23, s16, $0xb8;
	[tilespmem:$0x10400] =	vst v63  }
0x1d8: {  	_ = 	snop  }
0x1d9: {  	[tilespmem:s11], [sflag:$0x1] =	stream.indirect.gather [hbm4b:s15+s16], $0x80, s24, s16, $0xb8;
	[tilespmem:$0x10400] =	vst v63  }
0x1da: {  	_ =	swait.ge [sflag:s10], $0x2000  }
0x1db: {  	[sflag:s10] =	ssyncset.done $0x0  }
0x1dc: {  	[sflag:s10] =	ssyncadd.s32 $0xFFFFE000  }
0x1dd: {  	_ =	swait.ge [sflag:s10], $0x2000  }
0x1de: {  	[sflag:s10] =	ssyncset.done $0x0  }
0x1df: {  	[sflag:s10] =	ssyncadd.s32 $0xFFFFE000  }
0x1e0: {  	_ =	swait.ge [sflag:s10], $0x2000  }
0x1e1: {  	[sflag:s10] =	ssyncset.done $0x0  }
0x1e2: {  	[sflag:s10] =	ssyncadd.s32 $0xFFFFE000  }
0x1e3: {  	_ =	swait.ge [sflag:s10], $0x2000  }
0x1e4: {  	[sflag:s10] =	ssyncset.done $0x0  }
0x1e5: {  	s0 =	rddreg [dreg:$0x14];
	[sflag:s10] =	ssyncadd.s32 $0xFFFFE000  }
0x1e6: {  	[hbm4b:s0+s2] =	stream.linear.scatter [tilespmem:s9], [sflag:$0x2], $0x2000, $0x38;
	[tilespmem:$0x10400] =	vst v63  }
0x1e7: {  	_ =	swait.ge [sflag:s5], $0x2000  }
0x1e8: {  	[sflag:s5] =	ssyncset.done $0x0  }
0x1e9: {  	s0 =	rddreg [dreg:$0x15];
	[sflag:s5] =	ssyncadd.s32 $0xFFFFE000  }
0x1ea: {  	[hbm4b:s0+s2] =	stream.linear.scatter [tilespmem:s8], [sflag:$0x2], $0x2000, $0x38;
	[tilespmem:$0x10400] =	vst v63  }
0x1eb: {  	_ =	swait.ge [sflag:s5], $0x2000  }
0x1ec: {  	[sflag:s5] =	ssyncset.done $0x0  }
0x1ed: {  	s0 =	rddreg [dreg:$0x16];
	[sflag:s5] =	ssyncadd.s32 $0xFFFFE000  }
0x1ee: {  	[hbm4b:s0+s2] =	stream.linear.scatter [tilespmem:s7], [sflag:$0x2], $0x2000, $0x38;
	[tilespmem:$0x10400] =	vst v63  }
0x1ef: {  	_ =	swait.ge [sflag:s5], $0x2000  }
0x1f0: {  	[sflag:s5] =	ssyncset.done $0x0  }
0x1f1: {  	s0 =	rddreg [dreg:$0x17];
	[sflag:s5] =	ssyncadd.s32 $0xFFFFE000  }
0x1f2: {  	[hbm4b:s0+s2] =	stream.linear.scatter [tilespmem:s6], [sflag:$0x2], $0x2000, $0x38;
	[tilespmem:$0x10400] =	vst v63  }
0x1f3: {  	_ =	swait.ge [sflag:s5], $0x2000  }
0x1f4: {  	[sflag:s5] =	ssyncset.done $0x0  }
0x1f5: {  	[sflag:s5] =	ssyncadd.s32 $0xFFFFE000  }
0x1f6: {  	[tilespmem:s9], [sflag:$0x1] =	stream.indirect.gather [hbm4b:s3+s16], $0x80, s21, s16, $0xb8;
	[tilespmem:$0x10400] =	vst v63  }
0x1f7: {  	_ = 	snop  }
0x1f8: {  	[tilespmem:s8], [sflag:$0x1] =	stream.indirect.gather [hbm4b:s4+s16], $0x80, s22, s16, $0xb8;
	[tilespmem:$0x10400] =	vst v63  }
0x1f9: {  	_ = 	snop  }
0x1fa: {  	[tilespmem:s7], [sflag:$0x1] =	stream.indirect.gather [hbm4b:s15+s16], $0x80, s21, s16, $0xb8;
	[tilespmem:$0x10400] =	vst v63  }
0x1fb: {  	_ = 	snop  }
0x1fc: {  	[tilespmem:s6], [sflag:$0x1] =	stream.indirect.gather [hbm4b:s15+s16], $0x80, s22, s16, $0xb8;
	[tilespmem:$0x10400] =	vst v63  }
0x1fd: {  	_ =	swait.ge [sflag:s10], $0x2000  }
0x1fe: {  	[sflag:s10] =	ssyncset.done $0x0  }
0x1ff: {  	[sflag:s10] =	ssyncadd.s32 $0xFFFFE000  }
0x200: {  	_ =	swait.ge [sflag:s10], $0x2000  }
0x201: {  	[sflag:s10] =	ssyncset.done $0x0  }
0x202: {  	[sflag:s10] =	ssyncadd.s32 $0xFFFFE000  }
0x203: {  	_ =	swait.ge [sflag:s10], $0x2000  }
0x204: {  	[sflag:s10] =	ssyncset.done $0x0  }
0x205: {  	[sflag:s10] =	ssyncadd.s32 $0xFFFFE000  }
0x206: {  	_ =	swait.ge [sflag:s10], $0x2000  }
0x207: {  	[sflag:s10] =	ssyncset.done $0x0  }
0x208: {  	s0 =	rddreg [dreg:$0x18];
	[sflag:s10] =	ssyncadd.s32 $0xFFFFE000  }
0x209: {  	[hbm4b:s0+s2] =	stream.linear.scatter [tilespmem:s14], [sflag:$0x2], $0x2000, $0x38;
	[tilespmem:$0x10400] =	vst v63  }
0x20a: {  	_ =	swait.ge [sflag:s5], $0x2000  }
0x20b: {  	[sflag:s5] =	ssyncset.done $0x0  }
0x20c: {  	s0 =	rddreg [dreg:$0x19];
	[sflag:s5] =	ssyncadd.s32 $0xFFFFE000  }
0x20d: {  	[hbm4b:s0+s2] =	stream.linear.scatter [tilespmem:s13], [sflag:$0x2], $0x2000, $0x38;
	[tilespmem:$0x10400] =	vst v63  }
0x20e: {  	_ =	swait.ge [sflag:s5], $0x2000  }
0x20f: {  	[sflag:s5] =	ssyncset.done $0x0  }
0x210: {  	s0 =	rddreg [dreg:$0x1a];
	[sflag:s5] =	ssyncadd.s32 $0xFFFFE000  }
0x211: {  	[hbm4b:s0+s2] =	stream.linear.scatter [tilespmem:s12], [sflag:$0x2], $0x2000, $0x38;
	[tilespmem:$0x10400] =	vst v63  }
0x212: {  	_ =	swait.ge [sflag:s5], $0x2000  }
0x213: {  	[sflag:s5] =	ssyncset.done $0x0  }
0x214: {  	s0 =	rddreg [dreg:$0x1b];
	[sflag:s5] =	ssyncadd.s32 $0xFFFFE000  }
0x215: {  	[hbm4b:s0+s2] =	stream.linear.scatter [tilespmem:s11], [sflag:$0x2], $0x2000, $0x38;
	[tilespmem:$0x10400] =	vst v63  }
0x216: {  	_ =	swait.ge [sflag:s5], $0x2000  }
0x217: {  	[sflag:s5] =	ssyncset.done $0x0  }
0x218: {  	[sflag:s5] =	ssyncadd.s32 $0xFFFFE000  }
0x219: {  	[tilespmem:s14], [sflag:$0x1] =	stream.indirect.gather [hbm4b:s3+s16], $0x80, s19, s16, $0xb8;
	[tilespmem:$0x10400] =	vst v63  }
0x21a: {  	_ = 	snop  }
0x21b: {  	[tilespmem:s13], [sflag:$0x1] =	stream.indirect.gather [hbm4b:s4+s16], $0x80, s20, s16, $0xb8;
	[tilespmem:$0x10400] =	vst v63  }
0x21c: {  	_ = 	snop  }
0x21d: {  	[tilespmem:s12], [sflag:$0x1] =	stream.indirect.gather [hbm4b:s15+s16], $0x80, s19, s16, $0xb8;
	[tilespmem:$0x10400] =	vst v63  }
0x21e: {  	_ = 	snop  }
0x21f: {  	[tilespmem:s11], [sflag:$0x1] =	stream.indirect.gather [hbm4b:s15+s16], $0x80, s20, s16, $0xb8;
	[tilespmem:$0x10400] =	vst v63  }
0x220: {  	_ =	swait.ge [sflag:s10], $0x2000  }
0x221: {  	[sflag:s10] =	ssyncset.done $0x0  }
0x222: {  	[sflag:s10] =	ssyncadd.s32 $0xFFFFE000  }
0x223: {  	_ =	swait.ge [sflag:s10], $0x2000  }
0x224: {  	[sflag:s10] =	ssyncset.done $0x0  }
0x225: {  	[sflag:s10] =	ssyncadd.s32 $0xFFFFE000  }
0x226: {  	_ =	swait.ge [sflag:s10], $0x2000  }
0x227: {  	[sflag:s10] =	ssyncset.done $0x0  }
0x228: {  	[sflag:s10] =	ssyncadd.s32 $0xFFFFE000  }
0x229: {  	_ =	swait.ge [sflag:s10], $0x2000  }
0x22a: {  	[sflag:s10] =	ssyncset.done $0x0  }
0x22b: {  	s0 =	rddreg [dreg:$0x1c];
	[sflag:s10] =	ssyncadd.s32 $0xFFFFE000  }
0x22c: {  	[hbm4b:s0+s2] =	stream.linear.scatter [tilespmem:s9], [sflag:$0x2], $0x2000, $0x38;
	[tilespmem:$0x10400] =	vst v63  }
0x22d: {  	_ =	swait.ge [sflag:s5], $0x2000  }
0x22e: {  	[sflag:s5] =	ssyncset.done $0x0  }
0x22f: {  	s0 =	rddreg [dreg:$0x1d];
	[sflag:s5] =	ssyncadd.s32 $0xFFFFE000  }
0x230: {  	[hbm4b:s0+s2] =	stream.linear.scatter [tilespmem:s8], [sflag:$0x2], $0x2000, $0x38;
	[tilespmem:$0x10400] =	vst v63  }
0x231: {  	_ =	swait.ge [sflag:s5], $0x2000  }
0x232: {  	[sflag:s5] =	ssyncset.done $0x0  }
0x233: {  	s0 =	rddreg [dreg:$0x1e];
	[sflag:s5] =	ssyncadd.s32 $0xFFFFE000  }
0x234: {  	[hbm4b:s0+s2] =	stream.linear.scatter [tilespmem:s7], [sflag:$0x2], $0x2000, $0x38;
	[tilespmem:$0x10400] =	vst v63  }
0x235: {  	_ =	swait.ge [sflag:s5], $0x2000  }
0x236: {  	[sflag:s5] =	ssyncset.done $0x0  }
0x237: {  	s0 =	rddreg [dreg:$0x1f];
	[sflag:s5] =	ssyncadd.s32 $0xFFFFE000  }
0x238: {  	[hbm4b:s0+s2] =	stream.linear.scatter [tilespmem:s6], [sflag:$0x2], $0x2000, $0x38;
	[tilespmem:$0x10400] =	vst v63  }
0x239: {  	_ =	swait.ge [sflag:s5], $0x2000  }
0x23a: {  	[sflag:s5] =	ssyncset.done $0x0  }
0x23b: {  	[sflag:s5] =	ssyncadd.s32 $0xFFFFE000  }
0x23c: {  	[tilespmem:s9], [sflag:$0x1] =	stream.indirect.gather [hbm4b:s3+s16], $0x80, s17, s16, $0xb8;
	[tilespmem:$0x10400] =	vst v63  }
0x23d: {  	_ = 	snop  }
0x23e: {  	[tilespmem:s8], [sflag:$0x1] =	stream.indirect.gather [hbm4b:s4+s16], $0x80, s18, s16, $0xb8;
	[tilespmem:$0x10400] =	vst v63  }
0x23f: {  	_ = 	snop  }
0x240: {  	[tilespmem:s7], [sflag:$0x1] =	stream.indirect.gather [hbm4b:s15+s16], $0x80, s17, s16, $0xb8;
	[tilespmem:$0x10400] =	vst v63  }
0x241: {  	_ = 	snop  }
0x242: {  	[tilespmem:s6], [sflag:$0x1] =	stream.indirect.gather [hbm4b:s15+s16], $0x80, s18, s16, $0xb8;
	[tilespmem:$0x10400] =	vst v63  }
0x243: {  	_ =	swait.ge [sflag:s10], $0x2000  }
0x244: {  	[sflag:s10] =	ssyncset.done $0x0  }
0x245: {  	[sflag:s10] =	ssyncadd.s32 $0xFFFFE000  }
0x246: {  	_ =	swait.ge [sflag:s10], $0x2000  }
0x247: {  	[sflag:s10] =	ssyncset.done $0x0  }
0x248: {  	[sflag:s10] =	ssyncadd.s32 $0xFFFFE000  }
0x249: {  	_ =	swait.ge [sflag:s10], $0x2000  }
0x24a: {  	[sflag:s10] =	ssyncset.done $0x0  }
0x24b: {  	[sflag:s10] =	ssyncadd.s32 $0xFFFFE000  }
0x24c: {  	_ =	swait.ge [sflag:s10], $0x2000  }
0x24d: {  	s0 =	sld [smem:$0x7F6]  }
0x24e: {  	[sflag:s10] =	ssyncset.done $0x0  }
0x24f: {  	[sflag:s10] =	ssyncadd.s32 $0xFFFFE000  }
0x250: {  	[hbm4b:s0+s2] =	stream.linear.scatter [tilespmem:s14], [sflag:$0x2], $0x2000, $0x38;
	[tilespmem:$0x10400] =	vst v63  }
0x251: {  	_ =	swait.ge [sflag:s5], $0x2000  }
0x252: {  	s0 =	sld [smem:$0x7F7]  }
0x253: {  	[sflag:s5] =	ssyncset.done $0x0  }
0x254: {  	[sflag:s5] =	ssyncadd.s32 $0xFFFFE000  }
0x255: {  	[hbm4b:s0+s2] =	stream.linear.scatter [tilespmem:s13], [sflag:$0x2], $0x2000, $0x38;
	[tilespmem:$0x10400] =	vst v63  }
0x256: {  	_ =	swait.ge [sflag:s5], $0x2000  }
0x257: {  	s0 =	sld [smem:$0x7F8]  }
0x258: {  	[sflag:s5] =	ssyncset.done $0x0  }
0x259: {  	[sflag:s5] =	ssyncadd.s32 $0xFFFFE000  }
0x25a: {  	[hbm4b:s0+s2] =	stream.linear.scatter [tilespmem:s12], [sflag:$0x2], $0x2000, $0x38;
	[tilespmem:$0x10400] =	vst v63  }
0x25b: {  	_ =	swait.ge [sflag:s5], $0x2000  }
0x25c: {  	s0 =	sld [smem:$0x7F9]  }
0x25d: {  	[sflag:s5] =	ssyncset.done $0x0  }
0x25e: {  	[sflag:s5] =	ssyncadd.s32 $0xFFFFE000  }
0x25f: {  	[hbm4b:s0+s2] =	stream.linear.scatter [tilespmem:s11], [sflag:$0x2], $0x2000, $0x38;
	[tilespmem:$0x10400] =	vst v63  }
0x260: {  	_ =	swait.ge [sflag:s5], $0x2000  }
0x261: {  	[sflag:s5] =	ssyncset.done $0x0  }
0x262: {  	[sflag:s5] =	ssyncadd.s32 $0xFFFFE000  }
0x263: {  	_ =	swait.ge [sflag:s10], $0x2000  }
0x264: {  	[sflag:s10] =	ssyncset.done $0x0  }
0x265: {  	[sflag:s10] =	ssyncadd.s32 $0xFFFFE000  }
0x266: {  	_ =	swait.ge [sflag:s10], $0x2000  }
0x267: {  	[sflag:s10] =	ssyncset.done $0x0  }
0x268: {  	[sflag:s10] =	ssyncadd.s32 $0xFFFFE000  }
0x269: {  	_ =	swait.ge [sflag:s10], $0x2000  }
0x26a: {  	[sflag:s10] =	ssyncset.done $0x0  }
0x26b: {  	[sflag:s10] =	ssyncadd.s32 $0xFFFFE000  }
0x26c: {  	_ =	swait.ge [sflag:s10], $0x2000  }
0x26d: {  	s0 =	sld [smem:$0x7FA]  }
0x26e: {  	[sflag:s10] =	ssyncset.done $0x0  }
0x26f: {  	[sflag:s10] =	ssyncadd.s32 $0xFFFFE000  }
0x270: {  	[hbm4b:s0+s2] =	stream.linear.scatter [tilespmem:s9], [sflag:$0x2], $0x2000, $0x38;
	[tilespmem:$0x10400] =	vst v63  }
0x271: {  	_ =	swait.ge [sflag:s5], $0x2000  }
0x272: {  	s0 =	sld [smem:$0x7FB]  }
0x273: {  	[sflag:s5] =	ssyncset.done $0x0  }
0x274: {  	[sflag:s5] =	ssyncadd.s32 $0xFFFFE000  }
0x275: {  	[hbm4b:s0+s2] =	stream.linear.scatter [tilespmem:s8], [sflag:$0x2], $0x2000, $0x38;
	[tilespmem:$0x10400] =	vst v63  }
0x276: {  	_ =	swait.ge [sflag:s5], $0x2000  }
0x277: {  	s0 =	sld [smem:$0x7FC]  }
0x278: {  	[sflag:s5] =	ssyncset.done $0x0  }
0x279: {  	[sflag:s5] =	ssyncadd.s32 $0xFFFFE000  }
0x27a: {  	[hbm4b:s0+s2] =	stream.linear.scatter [tilespmem:s7], [sflag:$0x2], $0x2000, $0x38;
	[tilespmem:$0x10400] =	vst v63  }
0x27b: {  	_ =	swait.ge [sflag:s5], $0x2000  }
0x27c: {  	p1 =	sne.s32 s1, $0x1;
	s0 =	sld [smem:$0x7FD]  }
.Ltmp2:
0x27d: {  	[sflag:s5] =	ssyncset.done $0x0;
	(pc) =	sbr.rel @p1 .LBB2_2-.Ltmp2, $4  }
0x27e: {  	[sflag:s5] =	ssyncadd.s32 $0xFFFFE000  }
0x27f: {  	[hbm4b:s0+s2] =	stream.linear.scatter [tilespmem:s6], [sflag:$0x2], $0x2000, $0x38;
	[tilespmem:$0x10400] =	vst v63  }
0x280: {  	_ =	swait.ge [sflag:s5], $0x2000  }
0x281: {  	s1 =	sadd.s32 $0xFFFFFFFF, s1;
	s0 =	rddreg [dreg:$0x6];
	[sflag:s5] =	ssyncset.done $0x0  }
.LBB2_3:
0x282: {  	[sflag:s5] =	ssyncadd.s32 @p0 $0xFFFFE000  }
0x283: {  	[tilespmem:s2], [sflag:$0x2] =	stream.linear.gather [hbm4b:s0+s2], $0x200, $0x38;
	[tilespmem:$0x10400] =	vst v63  }
0x284: {  	_ =	swait.ge [sflag:s5], $0x200  }
0x285: {  	[sflag:s5] =	ssyncset.done $0x0  }
0x286: {  	s1 =	rddreg [dreg:$0x7];
	[sflag:s5] =	ssyncadd.s32 $0xFFFFFE00  }
0x287: {  	[tilespmem:s30], [sflag:$0x2] =	stream.linear.gather [hbm4b:s1+s2], $0x200, $0x38;
	[tilespmem:$0x10400] =	vst v63  }
0x288: {  	_ =	swait.ge [sflag:s5], $0x200  }
0x289: {  	[sflag:s5] =	ssyncset.done $0x0  }
0x28a: {  	[sflag:s5] =	ssyncadd.s32 $0xFFFFFE00  }
0x28b: {  	[tilespmem:s14], [sflag:$0x1] =	stream.indirect.gather [hbm4b:s3+s16], $0x80, s2, s16, $0xb8;
	[tilespmem:$0x10400] =	vst v63  }
0x28c: {  	_ = 	snop  }
0x28d: {  	[tilespmem:s13], [sflag:$0x1] =	stream.indirect.gather [hbm4b:s4+s16], $0x80, s30, s16, $0xb8;
	[tilespmem:$0x10400] =	vst v63  }
0x28e: {  	_ = 	snop  }
0x28f: {  	[tilespmem:s12], [sflag:$0x1] =	stream.indirect.gather [hbm4b:s15+s16], $0x80, s2, s16, $0xb8;
	[tilespmem:$0x10400] =	vst v63  }
0x290: {  	_ = 	snop  }
0x291: {  	[tilespmem:s11], [sflag:$0x1] =	stream.indirect.gather [hbm4b:s15+s16], $0x80, s30, s16, $0xb8;
	[tilespmem:$0x10400] =	vst v63  }
0x292: {  	_ = 	snop  }
0x293: {  	[tilespmem:s9], [sflag:$0x1] =	stream.indirect.gather [hbm4b:s3+s16], $0x80, s16, s16, $0xb8;
	[tilespmem:$0x10400] =	vst v63  }
0x294: {  	_ = 	snop  }
0x295: {  	[tilespmem:s8], [sflag:$0x1] =	stream.indirect.gather [hbm4b:s4+s16], $0x80, s31, s16, $0xb8;
	[tilespmem:$0x10400] =	vst v63  }
0x296: {  	_ = 	snop  }
0x297: {  	[tilespmem:s7], [sflag:$0x1] =	stream.indirect.gather [hbm4b:s15+s16], $0x80, s16, s16, $0xb8;
	[tilespmem:$0x10400] =	vst v63  }
0x298: {  	_ = 	snop  }
0x299: {  	[tilespmem:s6], [sflag:$0x1] =	stream.indirect.gather [hbm4b:s15+s16], $0x80, s31, s16, $0xb8;
	[tilespmem:$0x10400] =	vst v63  }
0x29a: {  	_ =	swait.ge [sflag:s10], $0x2000  }
0x29b: {  	[sflag:s10] =	ssyncset.done $0x0  }
0x29c: {  	[sflag:s10] =	ssyncadd.s32 $0xFFFFE000  }
0x29d: {  	_ =	swait.ge [sflag:s10], $0x2000  }
0x29e: {  	[sflag:s10] =	ssyncset.done $0x0  }
0x29f: {  	[sflag:s10] =	ssyncadd.s32 $0xFFFFE000  }
0x2a0: {  	_ =	swait.ge [sflag:s10], $0x2000  }
0x2a1: {  	[sflag:s10] =	ssyncset.done $0x0  }
0x2a2: {  	[sflag:s10] =	ssyncadd.s32 $0xFFFFE000  }
0x2a3: {  	_ =	swait.ge [sflag:s10], $0x2000  }
0x2a4: {  	[sflag:s10] =	ssyncset.done $0x0  }
0x2a5: {  	s1 =	rddreg [dreg:$0x8];
	[sflag:s10] =	ssyncadd.s32 $0xFFFFE000  }
0x2a6: {  	[hbm4b:s1+s2] =	stream.linear.scatter [tilespmem:s14], [sflag:$0x2], $0x2000, $0x38;
	[tilespmem:$0x10400] =	vst v63  }
0x2a7: {  	_ =	swait.ge [sflag:s5], $0x2000  }
0x2a8: {  	[sflag:s5] =	ssyncset.done $0x0  }
0x2a9: {  	s30 =	rddreg [dreg:$0x9];
	[sflag:s5] =	ssyncadd.s32 $0xFFFFE000  }
0x2aa: {  	[hbm4b:s30+s2] =	stream.linear.scatter [tilespmem:s13], [sflag:$0x2], $0x2000, $0x38;
	[tilespmem:$0x10400] =	vst v63  }
0x2ab: {  	_ =	swait.ge [sflag:s5], $0x2000  }
0x2ac: {  	[sflag:s5] =	ssyncset.done $0x0  }
0x2ad: {  	s31 =	rddreg [dreg:$0xa];
	[sflag:s5] =	ssyncadd.s32 $0xFFFFE000  }
0x2ae: {  	[hbm4b:s31+s2] =	stream.linear.scatter [tilespmem:s12], [sflag:$0x2], $0x2000, $0x38;
	[tilespmem:$0x10400] =	vst v63  }
0x2af: {  	_ =	swait.ge [sflag:s5], $0x2000  }
0x2b0: {  	[sflag:s5] =	ssyncset.done $0x0  }
0x2b1: {  	s1 =	rddreg [dreg:$0xb];
	[sflag:s5] =	ssyncadd.s32 $0xFFFFE000  }
0x2b2: {  	[hbm4b:s1+s2] =	stream.linear.scatter [tilespmem:s11], [sflag:$0x2], $0x2000, $0x38;
	[tilespmem:$0x10400] =	vst v63  }
0x2b3: {  	_ =	swait.ge [sflag:s5], $0x2000  }
0x2b4: {  	[sflag:s5] =	ssyncset.done $0x0  }
0x2b5: {  	[sflag:s5] =	ssyncadd.s32 $0xFFFFE000  }
0x2b6: {  	[tilespmem:s14], [sflag:$0x1] =	stream.indirect.gather [hbm4b:s3+s16], $0x80, s28, s16, $0xb8;
	[tilespmem:$0x10400] =	vst v63  }
0x2b7: {  	_ = 	snop  }
0x2b8: {  	[tilespmem:s13], [sflag:$0x1] =	stream.indirect.gather [hbm4b:s4+s16], $0x80, s29, s16, $0xb8;
	[tilespmem:$0x10400] =	vst v63  }
0x2b9: {  	_ = 	snop  }
0x2ba: {  	[tilespmem:s12], [sflag:$0x1] =	stream.indirect.gather [hbm4b:s15+s16], $0x80, s28, s16, $0xb8;
	[tilespmem:$0x10400] =	vst v63  }
0x2bb: {  	_ = 	snop  }
0x2bc: {  	[tilespmem:s11], [sflag:$0x1] =	stream.indirect.gather [hbm4b:s15+s16], $0x80, s29, s16, $0xb8;
	[tilespmem:$0x10400] =	vst v63  }
0x2bd: {  	_ =	swait.ge [sflag:s10], $0x2000  }
0x2be: {  	[sflag:s10] =	ssyncset.done $0x0  }
0x2bf: {  	[sflag:s10] =	ssyncadd.s32 $0xFFFFE000  }
0x2c0: {  	_ =	swait.ge [sflag:s10], $0x2000  }
0x2c1: {  	[sflag:s10] =	ssyncset.done $0x0  }
0x2c2: {  	[sflag:s10] =	ssyncadd.s32 $0xFFFFE000  }
0x2c3: {  	_ =	swait.ge [sflag:s10], $0x2000  }
0x2c4: {  	[sflag:s10] =	ssyncset.done $0x0  }
0x2c5: {  	[sflag:s10] =	ssyncadd.s32 $0xFFFFE000  }
0x2c6: {  	_ =	swait.ge [sflag:s10], $0x2000  }
0x2c7: {  	[sflag:s10] =	ssyncset.done $0x0  }
0x2c8: {  	s30 =	rddreg [dreg:$0xc];
	[sflag:s10] =	ssyncadd.s32 $0xFFFFE000  }
0x2c9: {  	[hbm4b:s30+s2] =	stream.linear.scatter [tilespmem:s9], [sflag:$0x2], $0x2000, $0x38;
	[tilespmem:$0x10400] =	vst v63  }
0x2ca: {  	_ =	swait.ge [sflag:s5], $0x2000  }
0x2cb: {  	[sflag:s5] =	ssyncset.done $0x0  }
0x2cc: {  	s31 =	rddreg [dreg:$0xd];
	[sflag:s5] =	ssyncadd.s32 $0xFFFFE000  }
0x2cd: {  	[hbm4b:s31+s2] =	stream.linear.scatter [tilespmem:s8], [sflag:$0x2], $0x2000, $0x38;
	[tilespmem:$0x10400] =	vst v63  }
0x2ce: {  	_ =	swait.ge [sflag:s5], $0x2000  }
0x2cf: {  	[sflag:s5] =	ssyncset.done $0x0  }
0x2d0: {  	s1 =	rddreg [dreg:$0xe];
	[sflag:s5] =	ssyncadd.s32 $0xFFFFE000  }
0x2d1: {  	[hbm4b:s1+s2] =	stream.linear.scatter [tilespmem:s7], [sflag:$0x2], $0x2000, $0x38;
	[tilespmem:$0x10400] =	vst v63  }
0x2d2: {  	_ =	swait.ge [sflag:s5], $0x2000  }
0x2d3: {  	[sflag:s5] =	ssyncset.done $0x0  }
0x2d4: {  	s28 =	rddreg [dreg:$0xf];
	[sflag:s5] =	ssyncadd.s32 $0xFFFFE000  }
0x2d5: {  	[hbm4b:s28+s2] =	stream.linear.scatter [tilespmem:s6], [sflag:$0x2], $0x2000, $0x38;
	[tilespmem:$0x10400] =	vst v63  }
0x2d6: {  	_ =	swait.ge [sflag:s5], $0x2000  }
0x2d7: {  	[sflag:s5] =	ssyncset.done $0x0  }
0x2d8: {  	[sflag:s5] =	ssyncadd.s32 $0xFFFFE000  }
0x2d9: {  	[tilespmem:s9], [sflag:$0x1] =	stream.indirect.gather [hbm4b:s3+s16], $0x80, s25, s16, $0xb8;
	[tilespmem:$0x10400] =	vst v63  }
0x2da: {  	_ = 	snop  }
0x2db: {  	[tilespmem:s8], [sflag:$0x1] =	stream.indirect.gather [hbm4b:s4+s16], $0x80, s26, s16, $0xb8;
	[tilespmem:$0x10400] =	vst v63  }
0x2dc: {  	_ = 	snop  }
0x2dd: {  	[tilespmem:s7], [sflag:$0x1] =	stream.indirect.gather [hbm4b:s15+s16], $0x80, s25, s16, $0xb8;
	[tilespmem:$0x10400] =	vst v63  }
0x2de: {  	_ = 	snop  }
0x2df: {  	[tilespmem:s6], [sflag:$0x1] =	stream.indirect.gather [hbm4b:s15+s16], $0x80, s26, s16, $0xb8;
	[tilespmem:$0x10400] =	vst v63  }
0x2e0: {  	_ =	swait.ge [sflag:s10], $0x2000  }
0x2e1: {  	[sflag:s10] =	ssyncset.done $0x0  }
0x2e2: {  	[sflag:s10] =	ssyncadd.s32 $0xFFFFE000  }
0x2e3: {  	_ =	swait.ge [sflag:s10], $0x2000  }
0x2e4: {  	[sflag:s10] =	ssyncset.done $0x0  }
0x2e5: {  	[sflag:s10] =	ssyncadd.s32 $0xFFFFE000  }
0x2e6: {  	_ =	swait.ge [sflag:s10], $0x2000  }
0x2e7: {  	[sflag:s10] =	ssyncset.done $0x0  }
0x2e8: {  	[sflag:s10] =	ssyncadd.s32 $0xFFFFE000  }
0x2e9: {  	_ =	swait.ge [sflag:s10], $0x2000  }
0x2ea: {  	[sflag:s10] =	ssyncset.done $0x0  }
0x2eb: {  	s29 =	rddreg [dreg:$0x10];
	[sflag:s10] =	ssyncadd.s32 $0xFFFFE000  }
0x2ec: {  	[hbm4b:s29+s2] =	stream.linear.scatter [tilespmem:s14], [sflag:$0x2], $0x2000, $0x38;
	[tilespmem:$0x10400] =	vst v63  }
0x2ed: {  	_ =	swait.ge [sflag:s5], $0x2000  }
0x2ee: {  	[sflag:s5] =	ssyncset.done $0x0  }
0x2ef: {  	s30 =	rddreg [dreg:$0x11];
	[sflag:s5] =	ssyncadd.s32 $0xFFFFE000  }
0x2f0: {  	[hbm4b:s30+s2] =	stream.linear.scatter [tilespmem:s13], [sflag:$0x2], $0x2000, $0x38;
	[tilespmem:$0x10400] =	vst v63  }
0x2f1: {  	_ =	swait.ge [sflag:s5], $0x2000  }
0x2f2: {  	[sflag:s5] =	ssyncset.done $0x0  }
0x2f3: {  	s31 =	rddreg [dreg:$0x12];
	[sflag:s5] =	ssyncadd.s32 $0xFFFFE000  }
0x2f4: {  	[hbm4b:s31+s2] =	stream.linear.scatter [tilespmem:s12], [sflag:$0x2], $0x2000, $0x38;
	[tilespmem:$0x10400] =	vst v63  }
0x2f5: {  	_ =	swait.ge [sflag:s5], $0x2000  }
0x2f6: {  	[sflag:s5] =	ssyncset.done $0x0  }
0x2f7: {  	s1 =	rddreg [dreg:$0x13];
	[sflag:s5] =	ssyncadd.s32 $0xFFFFE000  }
0x2f8: {  	[hbm4b:s1+s2] =	stream.linear.scatter [tilespmem:s11], [sflag:$0x2], $0x2000, $0x38;
	[tilespmem:$0x10400] =	vst v63  }
0x2f9: {  	_ =	swait.ge [sflag:s5], $0x2000  }
0x2fa: {  	[sflag:s5] =	ssyncset.done $0x0  }
0x2fb: {  	[sflag:s5] =	ssyncadd.s32 $0xFFFFE000  }
0x2fc: {  	[tilespmem:s14], [sflag:$0x1] =	stream.indirect.gather [hbm4b:s3+s16], $0x80, s23, s16, $0xb8;
	[tilespmem:$0x10400] =	vst v63  }
0x2fd: {  	_ = 	snop  }
0x2fe: {  	[tilespmem:s13], [sflag:$0x1] =	stream.indirect.gather [hbm4b:s4+s16], $0x80, s24, s16, $0xb8;
	[tilespmem:$0x10400] =	vst v63  }
0x2ff: {  	_ = 	snop  }
0x300: {  	[tilespmem:s12], [sflag:$0x1] =	stream.indirect.gather [hbm4b:s15+s16], $0x80, s23, s16, $0xb8;
	[tilespmem:$0x10400] =	vst v63  }
0x301: {  	_ = 	snop  }
0x302: {  	[tilespmem:s11], [sflag:$0x1] =	stream.indirect.gather [hbm4b:s15+s16], $0x80, s24, s16, $0xb8;
	[tilespmem:$0x10400] =	vst v63  }
0x303: {  	_ =	swait.ge [sflag:s10], $0x2000  }
0x304: {  	[sflag:s10] =	ssyncset.done $0x0  }
0x305: {  	[sflag:s10] =	ssyncadd.s32 $0xFFFFE000  }
0x306: {  	_ =	swait.ge [sflag:s10], $0x2000  }
0x307: {  	[sflag:s10] =	ssyncset.done $0x0  }
0x308: {  	[sflag:s10] =	ssyncadd.s32 $0xFFFFE000  }
0x309: {  	_ =	swait.ge [sflag:s10], $0x2000  }
0x30a: {  	[sflag:s10] =	ssyncset.done $0x0  }
0x30b: {  	[sflag:s10] =	ssyncadd.s32 $0xFFFFE000  }
0x30c: {  	_ =	swait.ge [sflag:s10], $0x2000  }
0x30d: {  	[sflag:s10] =	ssyncset.done $0x0  }
0x30e: {  	s23 =	rddreg [dreg:$0x14];
	[sflag:s10] =	ssyncadd.s32 $0xFFFFE000  }
0x30f: {  	[hbm4b:s23+s2] =	stream.linear.scatter [tilespmem:s9], [sflag:$0x2], $0x2000, $0x38;
	[tilespmem:$0x10400] =	vst v63  }
0x310: {  	_ =	swait.ge [sflag:s5], $0x2000  }
0x311: {  	[sflag:s5] =	ssyncset.done $0x0  }
0x312: {  	s24 =	rddreg [dreg:$0x15];
	[sflag:s5] =	ssyncadd.s32 $0xFFFFE000  }
0x313: {  	[hbm4b:s24+s2] =	stream.linear.scatter [tilespmem:s8], [sflag:$0x2], $0x2000, $0x38;
	[tilespmem:$0x10400] =	vst v63  }
0x314: {  	_ =	swait.ge [sflag:s5], $0x2000  }
0x315: {  	[sflag:s5] =	ssyncset.done $0x0  }
0x316: {  	s25 =	rddreg [dreg:$0x16];
	[sflag:s5] =	ssyncadd.s32 $0xFFFFE000  }
0x317: {  	[hbm4b:s25+s2] =	stream.linear.scatter [tilespmem:s7], [sflag:$0x2], $0x2000, $0x38;
	[tilespmem:$0x10400] =	vst v63  }
0x318: {  	_ =	swait.ge [sflag:s5], $0x2000  }
0x319: {  	[sflag:s5] =	ssyncset.done $0x0  }
0x31a: {  	s26 =	rddreg [dreg:$0x17];
	[sflag:s5] =	ssyncadd.s32 $0xFFFFE000  }
0x31b: {  	[hbm4b:s26+s2] =	stream.linear.scatter [tilespmem:s6], [sflag:$0x2], $0x2000, $0x38;
	[tilespmem:$0x10400] =	vst v63  }
0x31c: {  	_ =	swait.ge [sflag:s5], $0x2000  }
0x31d: {  	[sflag:s5] =	ssyncset.done $0x0  }
0x31e: {  	[sflag:s5] =	ssyncadd.s32 $0xFFFFE000  }
0x31f: {  	[tilespmem:s9], [sflag:$0x1] =	stream.indirect.gather [hbm4b:s3+s16], $0x80, s21, s16, $0xb8;
	[tilespmem:$0x10400] =	vst v63  }
0x320: {  	_ = 	snop  }
0x321: {  	[tilespmem:s8], [sflag:$0x1] =	stream.indirect.gather [hbm4b:s4+s16], $0x80, s22, s16, $0xb8;
	[tilespmem:$0x10400] =	vst v63  }
0x322: {  	_ = 	snop  }
0x323: {  	[tilespmem:s7], [sflag:$0x1] =	stream.indirect.gather [hbm4b:s15+s16], $0x80, s21, s16, $0xb8;
	[tilespmem:$0x10400] =	vst v63  }
0x324: {  	_ = 	snop  }
0x325: {  	[tilespmem:s6], [sflag:$0x1] =	stream.indirect.gather [hbm4b:s15+s16], $0x80, s22, s16, $0xb8;
	[tilespmem:$0x10400] =	vst v63  }
0x326: {  	_ =	swait.ge [sflag:s10], $0x2000  }
0x327: {  	[sflag:s10] =	ssyncset.done $0x0  }
0x328: {  	[sflag:s10] =	ssyncadd.s32 $0xFFFFE000  }
0x329: {  	_ =	swait.ge [sflag:s10], $0x2000  }
0x32a: {  	[sflag:s10] =	ssyncset.done $0x0  }
0x32b: {  	[sflag:s10] =	ssyncadd.s32 $0xFFFFE000  }
0x32c: {  	_ =	swait.ge [sflag:s10], $0x2000  }
0x32d: {  	[sflag:s10] =	ssyncset.done $0x0  }
0x32e: {  	[sflag:s10] =	ssyncadd.s32 $0xFFFFE000  }
0x32f: {  	_ =	swait.ge [sflag:s10], $0x2000  }
0x330: {  	[sflag:s10] =	ssyncset.done $0x0  }
0x331: {  	s28 =	rddreg [dreg:$0x18];
	[sflag:s10] =	ssyncadd.s32 $0xFFFFE000  }
0x332: {  	[hbm4b:s28+s2] =	stream.linear.scatter [tilespmem:s14], [sflag:$0x2], $0x2000, $0x38;
	[tilespmem:$0x10400] =	vst v63  }
0x333: {  	_ =	swait.ge [sflag:s5], $0x2000  }
0x334: {  	[sflag:s5] =	ssyncset.done $0x0  }
0x335: {  	s29 =	rddreg [dreg:$0x19];
	[sflag:s5] =	ssyncadd.s32 $0xFFFFE000  }
0x336: {  	[hbm4b:s29+s2] =	stream.linear.scatter [tilespmem:s13], [sflag:$0x2], $0x2000, $0x38;
	[tilespmem:$0x10400] =	vst v63  }
0x337: {  	_ =	swait.ge [sflag:s5], $0x2000  }
0x338: {  	[sflag:s5] =	ssyncset.done $0x0  }
0x339: {  	s30 =	rddreg [dreg:$0x1a];
	[sflag:s5] =	ssyncadd.s32 $0xFFFFE000  }
0x33a: {  	[hbm4b:s30+s2] =	stream.linear.scatter [tilespmem:s12], [sflag:$0x2], $0x2000, $0x38;
	[tilespmem:$0x10400] =	vst v63  }
0x33b: {  	_ =	swait.ge [sflag:s5], $0x2000  }
0x33c: {  	[sflag:s5] =	ssyncset.done $0x0  }
0x33d: {  	s31 =	rddreg [dreg:$0x1b];
	[sflag:s5] =	ssyncadd.s32 $0xFFFFE000  }
0x33e: {  	[hbm4b:s31+s2] =	stream.linear.scatter [tilespmem:s11], [sflag:$0x2], $0x2000, $0x38;
	[tilespmem:$0x10400] =	vst v63  }
0x33f: {  	_ =	swait.ge [sflag:s5], $0x2000  }
0x340: {  	[sflag:s5] =	ssyncset.done $0x0  }
0x341: {  	[sflag:s5] =	ssyncadd.s32 $0xFFFFE000  }
0x342: {  	[tilespmem:s14], [sflag:$0x1] =	stream.indirect.gather [hbm4b:s3+s16], $0x80, s19, s16, $0xb8;
	[tilespmem:$0x10400] =	vst v63  }
0x343: {  	_ = 	snop  }
0x344: {  	[tilespmem:s13], [sflag:$0x1] =	stream.indirect.gather [hbm4b:s4+s16], $0x80, s20, s16, $0xb8;
	[tilespmem:$0x10400] =	vst v63  }
0x345: {  	_ = 	snop  }
0x346: {  	[tilespmem:s12], [sflag:$0x1] =	stream.indirect.gather [hbm4b:s15+s16], $0x80, s19, s16, $0xb8;
	[tilespmem:$0x10400] =	vst v63  }
0x347: {  	_ = 	snop  }
0x348: {  	[tilespmem:s11], [sflag:$0x1] =	stream.indirect.gather [hbm4b:s15+s16], $0x80, s20, s16, $0xb8;
	[tilespmem:$0x10400] =	vst v63  }
0x349: {  	_ =	swait.ge [sflag:s10], $0x2000  }
0x34a: {  	[sflag:s10] =	ssyncset.done $0x0  }
0x34b: {  	[sflag:s10] =	ssyncadd.s32 $0xFFFFE000  }
0x34c: {  	_ =	swait.ge [sflag:s10], $0x2000  }
0x34d: {  	[sflag:s10] =	ssyncset.done $0x0  }
0x34e: {  	[sflag:s10] =	ssyncadd.s32 $0xFFFFE000  }
0x34f: {  	_ =	swait.ge [sflag:s10], $0x2000  }
0x350: {  	[sflag:s10] =	ssyncset.done $0x0  }
0x351: {  	[sflag:s10] =	ssyncadd.s32 $0xFFFFE000  }
0x352: {  	_ =	swait.ge [sflag:s10], $0x2000  }
0x353: {  	[sflag:s10] =	ssyncset.done $0x0  }
0x354: {  	s1 =	rddreg [dreg:$0x1c];
	[sflag:s10] =	ssyncadd.s32 $0xFFFFE000  }
0x355: {  	[hbm4b:s1+s2] =	stream.linear.scatter [tilespmem:s9], [sflag:$0x2], $0x2000, $0x38;
	[tilespmem:$0x10400] =	vst v63  }
0x356: {  	_ =	swait.ge [sflag:s5], $0x2000  }
0x357: {  	[sflag:s5] =	ssyncset.done $0x0  }
0x358: {  	s19 =	rddreg [dreg:$0x1d];
	[sflag:s5] =	ssyncadd.s32 $0xFFFFE000  }
0x359: {  	[hbm4b:s19+s2] =	stream.linear.scatter [tilespmem:s8], [sflag:$0x2], $0x2000, $0x38;
	[tilespmem:$0x10400] =	vst v63  }
0x35a: {  	_ =	swait.ge [sflag:s5], $0x2000  }
0x35b: {  	[sflag:s5] =	ssyncset.done $0x0  }
0x35c: {  	s20 =	rddreg [dreg:$0x1e];
	[sflag:s5] =	ssyncadd.s32 $0xFFFFE000  }
0x35d: {  	[hbm4b:s20+s2] =	stream.linear.scatter [tilespmem:s7], [sflag:$0x2], $0x2000, $0x38;
	[tilespmem:$0x10400] =	vst v63  }
0x35e: {  	_ =	swait.ge [sflag:s5], $0x2000  }
0x35f: {  	[sflag:s5] =	ssyncset.done $0x0  }
0x360: {  	s21 =	rddreg [dreg:$0x1f];
	[sflag:s5] =	ssyncadd.s32 $0xFFFFE000  }
0x361: {  	[hbm4b:s21+s2] =	stream.linear.scatter [tilespmem:s6], [sflag:$0x2], $0x2000, $0x38;
	[tilespmem:$0x10400] =	vst v63  }
0x362: {  	_ =	swait.ge [sflag:s5], $0x2000  }
0x363: {  	[sflag:s5] =	ssyncset.done $0x0  }
0x364: {  	[sflag:s5] =	ssyncadd.s32 $0xFFFFE000  }
0x365: {  	[tilespmem:s9], [sflag:$0x1] =	stream.indirect.gather [hbm4b:s3+s16], $0x80, s17, s16, $0xb8;
	[tilespmem:$0x10400] =	vst v63  }
0x366: {  	_ = 	snop  }
0x367: {  	[tilespmem:s8], [sflag:$0x1] =	stream.indirect.gather [hbm4b:s4+s16], $0x80, s18, s16, $0xb8;
	[tilespmem:$0x10400] =	vst v63  }
0x368: {  	_ = 	snop  }
0x369: {  	[tilespmem:s7], [sflag:$0x1] =	stream.indirect.gather [hbm4b:s15+s16], $0x80, s17, s16, $0xb8;
	[tilespmem:$0x10400] =	vst v63  }
0x36a: {  	_ = 	snop  }
0x36b: {  	[tilespmem:s6], [sflag:$0x1] =	stream.indirect.gather [hbm4b:s15+s16], $0x80, s18, s16, $0xb8;
	[tilespmem:$0x10400] =	vst v63  }
0x36c: {  	_ =	swait.ge [sflag:s10], $0x2000  }
0x36d: {  	[sflag:s10] =	ssyncset.done $0x0  }
0x36e: {  	[sflag:s10] =	ssyncadd.s32 $0xFFFFE000  }
0x36f: {  	_ =	swait.ge [sflag:s10], $0x2000  }
0x370: {  	[sflag:s10] =	ssyncset.done $0x0  }
0x371: {  	[sflag:s10] =	ssyncadd.s32 $0xFFFFE000  }
0x372: {  	_ =	swait.ge [sflag:s10], $0x2000  }
0x373: {  	[sflag:s10] =	ssyncset.done $0x0  }
0x374: {  	[sflag:s10] =	ssyncadd.s32 $0xFFFFE000  }
0x375: {  	_ =	swait.ge [sflag:s10], $0x2000  }
0x376: {  	s22 =	sld [smem:$0x7F6]  }
0x377: {  	[sflag:s10] =	ssyncset.done $0x0  }
0x378: {  	[sflag:s10] =	ssyncadd.s32 $0xFFFFE000  }
0x379: {  	[hbm4b:s22+s2] =	stream.linear.scatter [tilespmem:s14], [sflag:$0x2], $0x2000, $0x38;
	[tilespmem:$0x10400] =	vst v63  }
0x37a: {  	_ =	swait.ge [sflag:s5], $0x2000  }
0x37b: {  	s23 =	sld [smem:$0x7F7]  }
0x37c: {  	[sflag:s5] =	ssyncset.done $0x0  }
0x37d: {  	[sflag:s5] =	ssyncadd.s32 $0xFFFFE000  }
0x37e: {  	[hbm4b:s23+s2] =	stream.linear.scatter [tilespmem:s13], [sflag:$0x2], $0x2000, $0x38;
	[tilespmem:$0x10400] =	vst v63  }
0x37f: {  	_ =	swait.ge [sflag:s5], $0x2000  }
0x380: {  	s24 =	sld [smem:$0x7F8]  }
0x381: {  	[sflag:s5] =	ssyncset.done $0x0  }
0x382: {  	[sflag:s5] =	ssyncadd.s32 $0xFFFFE000  }
0x383: {  	[hbm4b:s24+s2] =	stream.linear.scatter [tilespmem:s12], [sflag:$0x2], $0x2000, $0x38;
	[tilespmem:$0x10400] =	vst v63  }
0x384: {  	_ =	swait.ge [sflag:s5], $0x2000  }
0x385: {  	s25 =	sld [smem:$0x7F9]  }
0x386: {  	[sflag:s5] =	ssyncset.done $0x0  }
0x387: {  	[sflag:s5] =	ssyncadd.s32 $0xFFFFE000  }
0x388: {  	[hbm4b:s25+s2] =	stream.linear.scatter [tilespmem:s11], [sflag:$0x2], $0x2000, $0x38;
	[tilespmem:$0x10400] =	vst v63  }
0x389: {  	_ =	swait.ge [sflag:s5], $0x2000  }
0x38a: {  	[sflag:s5] =	ssyncset.done $0x0  }
0x38b: {  	[sflag:s5] =	ssyncadd.s32 $0xFFFFE000  }
0x38c: {  	_ =	swait.ge [sflag:s10], $0x2000  }
0x38d: {  	[sflag:s10] =	ssyncset.done $0x0  }
0x38e: {  	[sflag:s10] =	ssyncadd.s32 $0xFFFFE000  }
0x38f: {  	_ =	swait.ge [sflag:s10], $0x2000  }
0x390: {  	[sflag:s10] =	ssyncset.done $0x0  }
0x391: {  	[sflag:s10] =	ssyncadd.s32 $0xFFFFE000  }
0x392: {  	_ =	swait.ge [sflag:s10], $0x2000  }
0x393: {  	[sflag:s10] =	ssyncset.done $0x0  }
0x394: {  	[sflag:s10] =	ssyncadd.s32 $0xFFFFE000  }
0x395: {  	_ =	swait.ge [sflag:s10], $0x2000  }
0x396: {  	s26 =	sld [smem:$0x7FA]  }
0x397: {  	[sflag:s10] =	ssyncset.done $0x0  }
0x398: {  	[sflag:s10] =	ssyncadd.s32 $0xFFFFE000  }
0x399: {  	[hbm4b:s26+s2] =	stream.linear.scatter [tilespmem:s9], [sflag:$0x2], $0x2000, $0x38;
	[tilespmem:$0x10400] =	vst v63  }
0x39a: {  	_ =	swait.ge [sflag:s5], $0x2000  }
0x39b: {  	s28 =	sld [smem:$0x7FB]  }
0x39c: {  	[sflag:s5] =	ssyncset.done $0x0  }
0x39d: {  	[sflag:s5] =	ssyncadd.s32 $0xFFFFE000  }
0x39e: {  	[hbm4b:s28+s2] =	stream.linear.scatter [tilespmem:s8], [sflag:$0x2], $0x2000, $0x38;
	[tilespmem:$0x10400] =	vst v63  }
0x39f: {  	_ =	swait.ge [sflag:s5], $0x2000  }
0x3a0: {  	s29 =	sld [smem:$0x7FC]  }
0x3a1: {  	[sflag:s5] =	ssyncset.done $0x0  }
0x3a2: {  	[sflag:s5] =	ssyncadd.s32 $0xFFFFE000  }
0x3a3: {  	[hbm4b:s29+s2] =	stream.linear.scatter [tilespmem:s7], [sflag:$0x2], $0x2000, $0x38;
	[tilespmem:$0x10400] =	vst v63  }
0x3a4: {  	_ =	swait.ge [sflag:s5], $0x2000  }
0x3a5: {  	s30 =	sld [smem:$0x7FD]  }
0x3a6: {  	[sflag:s5] =	ssyncset.done $0x0  }
0x3a7: {  	[sflag:s5] =	ssyncadd.s32 $0xFFFFE000  }
0x3a8: {  	[hbm4b:s30+s2] =	stream.linear.scatter [tilespmem:s6], [sflag:$0x2], $0x2000, $0x38;
	[tilespmem:$0x10400] =	vst v63  }
0x3a9: {  	_ =	swait.ge [sflag:s5], $0x2000  }
0x3aa: {  	[sflag:s5] =	ssyncset.done $0x0  }
0x3ab: {  	[sflag:s5] =	ssyncadd.s32 $0xFFFFE000  }
0x3ac: {  	_ =	sfence.sel $0x180000  }
0x3ad: {  	[bflag:$0x0] =	sbarrier.arrive $0xFFFF  }
0x3ae: {  	_ =	strace $0x90000047  }
0x3af: {  	s31 =	stileid.u32;
	[bflag:$0x2] =	sbarrier.arrive $0xFFFF  }
0x3b0: {  	p0 =	sne.s32 s31, $0x0;
	s0 =	rddreg [dreg:$0x5]  }
0x3b1: {  	s0 =	sadd.s32 @!p0 $0x100000, s0  }
0x3b2: {  	[sflag:s0] =	ssyncadd.tile.s32 @!p0 $0x1;
	_ =	shalt  }
.Lfunc_end2:
_tile_overlayer_lowered:
.L_overlay_start_2:
0x3b3: {  	(tag) =	ssettag $0x2  }
0x3b4: {  	s0 =	rddreg [dreg:$0x0];
	s2 =	stileid.u32  }
0x3b5: {  	s1 =	rddreg [dreg:$0x1];
	p0 =	sne.s32 s2, $0x0  }
0x3b6: {  	s3 =	rddreg [dreg:$0x2];
	[bflag:$0x3] =	sbarrier.arrive $0xFFFF;
	s2 =	simm.s32 @!p0 $0x1C02  }
0x3b7: {  	[timem:s3], [sflag:s2] =	dma.local @!p0 [hbm:s0], s1  }
0x3b8: {  	s0 =	simm.s32 @!p0 $0x2  }
0x3b9: {  	_ =	swait.ge @!p0 [sflag:s0], s1  }
0x3ba: {  	s1 =	ssub.s32 @!p0 $0x0, s1;
	[sflag:s0] =	ssyncset.done @!p0 $0x0  }
0x3bb: {  	[sflag:s0] =	ssyncadd.s32 @!p0 s1  }
0x3bc: {  	[bflag:$0x3] =	sbarrier.arrive $0xFFFF  }
0x3bd: {  	_ =	shalt  }

</sc_bundles>
